<compile_context>
chip_gen: v7x
topology: tpu7x:2x2x1
jax: 0.10.2.dev20260603
libtpu: 0.0.44.dev20260713+nightly
codegen_flags: <defaults>
</compile_context>

<pallas_src>
import functools

import jax
import jax.numpy as jnp
from jax import lax
from jax.experimental import pallas as pl
from jax.experimental.pallas import tpu as pltpu
from jax.experimental.pallas import tpu_sc as plsc

NC = 2
NS = 16
NW = NC * NS
LANES = 16


N_IN = 4
N_OUT = 4


def _blend_call(pe2, rel2, alpha_vec, seq_len, d, rel_row0):
    rows_per_w = seq_len // NW
    ch_rows = min(8, rows_per_w)
    n_ch = rows_per_w // ch_rows

    mesh = plsc.VectorSubcoreMesh(
        core_axis_name="c", subcore_axis_name="s",
        num_cores=NC, num_subcores=NS)

    buf = pltpu.VMEM((ch_rows, d), jnp.float32)
    sem = pltpu.SemaphoreType.DMA

    @functools.partial(
        pl.kernel,
        out_type=jax.ShapeDtypeStruct((seq_len, d), jnp.float32),
        mesh=mesh,
        compiler_params=pltpu.CompilerParams(use_tc_tiling_on_sc=True),
        scratch_types=(
            [pltpu.VMEM((LANES,), jnp.float32)]
            + [buf] * (2 * N_IN + N_OUT)
            + [sem] * (N_IN + N_OUT)
        ),
    )
    def run(pe_hbm, rel_hbm, al_hbm, out_hbm, al_v, *bufs_and_sems):
        pe_bufs = list(bufs_and_sems[0:N_IN])
        rel_bufs = list(bufs_and_sems[N_IN:2 * N_IN])
        out_bufs = list(bufs_and_sems[2 * N_IN:2 * N_IN + N_OUT])
        s_in = list(bufs_and_sems[2 * N_IN + N_OUT:2 * N_IN + N_OUT + N_IN])
        s_out = list(bufs_and_sems[2 * N_IN + N_OUT + N_IN:])

        wid = lax.axis_index("s") * NC + lax.axis_index("c")
        base_row = wid * rows_per_w
        pltpu.sync_copy(al_hbm, al_v)
        a = al_v[...]
        b = 1.0 - a
        n_vec = d // LANES

        def in_srcs(c):
            row = base_row + c * ch_rows
            return (pe_hbm.at[pl.ds(row, ch_rows), :],
                    rel_hbm.at[pl.ds(rel_row0 + row, ch_rows), :])

        def out_dst(c):
            row = base_row + c * ch_rows
            return out_hbm.at[pl.ds(row, ch_rows), :]

        def start_in(c, slot):
            ps, rs = in_srcs(c)
            pltpu.async_copy(ps, pe_bufs[slot], s_in[slot])
            pltpu.async_copy(rs, rel_bufs[slot], s_in[slot])

        for c in range(min(N_IN - 1, n_ch)):
            start_in(c, c % N_IN)

        n_super = n_ch // N_IN

        UNROLL = 8

        def super_body(sp, _):
            for k in range(N_IN):
                c = sp * N_IN + k
                s = k % N_IN
                nxt = c + N_IN - 1

                psc, rsc = in_srcs(c)
                pltpu.make_async_copy(psc, pe_bufs[s], s_in[s]).wait()
                pltpu.make_async_copy(rsc, rel_bufs[s], s_in[s]).wait()
                so = k % N_OUT

                @pl.when(c >= N_OUT)
                def _():
                    pltpu.make_async_copy(out_bufs[so], out_dst(c - N_OUT),
                                          s_out[so]).wait()

                @pl.when(nxt < n_ch)
                def _():
                    start_in(nxt, (k + N_IN - 1) % N_IN)

                pv, rv, ov = pe_bufs[s], rel_bufs[s], out_bufs[so]

                g_per_row = n_vec // UNROLL

                def vec_body(t, _):
                    r = t // g_per_row
                    col0 = (t % g_per_row) * (UNROLL * LANES)
                    for u in range(UNROLL):
                        sl = pl.ds(col0 + u * LANES, LANES)
                        ov[r, sl] = a * pv[r, sl] + b * rv[r, sl]
                    return ()

                lax.fori_loop(0, ch_rows * g_per_row, vec_body, ())

                pltpu.async_copy(ov, out_dst(c), s_out[so])
            return ()

        lax.fori_loop(0, n_super, super_body, ())

        for c in range(max(0, n_ch - N_OUT), n_ch):
            so = (c % N_IN) % N_OUT
            pltpu.make_async_copy(out_bufs[so], out_dst(c), s_out[so]).wait()

    return run(pe2, rel2, alpha_vec)


def kernel(x, pe, rel_table, alpha):
    seq_len = x.shape[1]
    d = pe.shape[-1]
    rel_row0 = pe.shape[1] - seq_len

    pe2 = pe.reshape(pe.shape[1], d)
    alpha_vec = jnp.full((LANES,), alpha, dtype=jnp.float32)

    out = _blend_call(pe2, rel_table, alpha_vec, seq_len, d, rel_row0)
    return out.reshape(1, seq_len, d)

# --- scband reference (transcript-rebuilt; emitter-appended) ---
"""Pipeline reference for scband-mixture-positional-encoding-20478404067607 (READ-ONLY COPY).

The authoritative reference and input builder live on the scoring server;
editing this copy changes nothing except your own understanding.
"""

import jax, jax.numpy as jnp
import numpy as np

D_MODEL = 1024
MAX_SEQ_LEN = 8192

def _make_pe():
    pe = np.zeros((MAX_SEQ_LEN, D_MODEL), dtype=np.float32)
    position = np.arange(0, MAX_SEQ_LEN, dtype=np.float32)[:, None]
    div_term = np.exp(np.arange(0, D_MODEL, 2, dtype=np.float32) * (-np.log(10000.0) / D_MODEL))
    pe[:, 0::2] = np.sin(position * div_term)
    pe[:, 1::2] = np.cos(position * div_term)
    return jnp.asarray(pe[None, :, :])  # [1, max_seq_len, d_model]

def setup_inputs(seed: int = 0) -> dict:
    key = jax.random.key(seed)
    k_x, k_tab = jax.random.split(key)
    x = jax.random.normal(k_x, (4, 4096, D_MODEL), dtype=jnp.float32)
    pe = _make_pe()
    rel_table = jax.random.normal(k_tab, (2 * MAX_SEQ_LEN - 1, D_MODEL), dtype=jnp.float32)
    alpha = jnp.float32(0.5)
    return {"x": x, "pe": pe, "rel_table": rel_table, "alpha": alpha}

def reference(x, pe, rel_table, alpha):
    seq_len = x.shape[1]
    absolute_pe = pe[:, :seq_len]  # [1, seq_len, d_model]
    relative_pos = jnp.arange(-seq_len + 1, seq_len)[None, :]  # [1, 2*seq_len-1]
    idx = relative_pos + MAX_SEQ_LEN - 1
    relative_pe = jnp.take(rel_table, idx, axis=0)  # [1, 2*seq_len-1, d_model]
    mixed_pe = alpha * absolute_pe + (1.0 - alpha) * relative_pe[:, :seq_len]
    # dropout in eval mode = identity
    return mixed_pe

if __name__ == "__main__":
    import jax
    _d = setup_inputs()
    print(jax.jit(kernel)(*tuple(_d.values())))

</pallas_src>

<mosaic_0001>
#map = affine_map<(d0, d1) -> (0, 0)>
#map1 = affine_map<(d0, d1) -> (0)>
module attributes {stable_mosaic.version = 14 : i64} {
  func.func @run(%arg0: i32, %arg1: i32, %arg2: memref<8192x1024xf32, #tpu.memory_space<hbm>>, %arg3: memref<16383x1024xf32, #tpu.memory_space<hbm>>, %arg4: memref<16xf32, #tpu.memory_space<hbm>>, %arg5: memref<4096x1024xf32, #tpu.memory_space<hbm>>, %arg6: memref<16xf32, #tpu.memory_space<vmem>>, %arg7: memref<8x1024xf32, #tpu.memory_space<vmem>>, %arg8: memref<8x1024xf32, #tpu.memory_space<vmem>>, %arg9: memref<8x1024xf32, #tpu.memory_space<vmem>>, %arg10: memref<8x1024xf32, #tpu.memory_space<vmem>>, %arg11: memref<8x1024xf32, #tpu.memory_space<vmem>>, %arg12: memref<8x1024xf32, #tpu.memory_space<vmem>>, %arg13: memref<8x1024xf32, #tpu.memory_space<vmem>>, %arg14: memref<8x1024xf32, #tpu.memory_space<vmem>>, %arg15: memref<8x1024xf32, #tpu.memory_space<vmem>>, %arg16: memref<8x1024xf32, #tpu.memory_space<vmem>>, %arg17: memref<8x1024xf32, #tpu.memory_space<vmem>>, %arg18: memref<8x1024xf32, #tpu.memory_space<vmem>>, %arg19: memref<!tpu.dma_semaphore, #tpu.memory_space<semaphore_mem>>, %arg20: memref<!tpu.dma_semaphore, #tpu.memory_space<semaphore_mem>>, %arg21: memref<!tpu.dma_semaphore, #tpu.memory_space<semaphore_mem>>, %arg22: memref<!tpu.dma_semaphore, #tpu.memory_space<semaphore_mem>>, %arg23: memref<!tpu.dma_semaphore, #tpu.memory_space<semaphore_mem>>, %arg24: memref<!tpu.dma_semaphore, #tpu.memory_space<semaphore_mem>>, %arg25: memref<!tpu.dma_semaphore, #tpu.memory_space<semaphore_mem>>, %arg26: memref<!tpu.dma_semaphore, #tpu.memory_space<semaphore_mem>>) attributes {dimension_semantics = [#tpu.dimension_semantics<core_parallel>, #tpu.dimension_semantics<subcore_parallel>], iteration_bounds = array<i64: 2, 16>, scalar_prefetch = 0 : i64, scratch_operands = 21 : i64, tpu.core_type = #tpu.core_type<sc_vector_subcore>, window_params = [{transform_indices = #map}, {transform_indices = #map}, {transform_indices = #map1}, {transform_indices = #map}]} {
    %mul3A = arith.constant 2 : i32
    %mul3A_0 = arith.muli %arg1, %mul3A : i32
    %add3A = arith.addi %mul3A_0, %arg0 : i32
    %mul3A_1 = arith.constant 128 : i32
    %mul3A_2 = arith.muli %add3A, %mul3A_1 : i32
    "tpu.region"() ({
      %run_scoped3A = tpu.sem_alloc : memref<!tpu.dma_semaphore, #tpu.memory_space<semaphore_mem>>
      tpu.enqueue_dma source(%arg4 : memref<16xf32, #tpu.memory_space<hbm>>) target(%arg6 : memref<16xf32, #tpu.memory_space<vmem>>) target_semaphore(%run_scoped3A : memref<!tpu.dma_semaphore, #tpu.memory_space<semaphore_mem>>)
      tpu.wait_dma2 semaphore(%run_scoped3A : memref<!tpu.dma_semaphore, #tpu.memory_space<semaphore_mem>>) src(%arg4 : memref<16xf32, #tpu.memory_space<hbm>>) dst(%arg6 : memref<16xf32, #tpu.memory_space<vmem>>)
      tpu.yield
    }) : () -> ()
    %get3A = arith.constant 0 : index
    %get3A_3 = tpu.vector_load %arg6[%get3A] {strides = array<i32>} : memref<16xf32, #tpu.memory_space<vmem>>, vector<16xf32>,
    %get3A_4 = vector.shape_cast %get3A_3 : vector<16xf32> to vector<16xf32>
    %sub3A = arith.constant 1.000000e+00 : f32
    %sub3A_5 = vector.broadcast %sub3A : f32 to vector<16xf32>
    %sub3A_6 = arith.subf %sub3A_5, %get3A_4 : vector<16xf32>
    %add3A_7 = arith.constant 0 : i32
    %add3A_8 = arith.addi %mul3A_2, %add3A_7 : i32
    %add3A_9 = arith.constant 4096 : i32
    %add3A_10 = arith.addi %add3A_9, %add3A_8 : i32
    %dma_start3A = arith.constant 0 : i32
    %dma_start3A_11 = tpu.memref_slice %arg2[%add3A_8, %dma_start3A] : memref<8192x1024xf32, #tpu.memory_space<hbm>> -> memref<8x1024xf32, #tpu.memory_space<hbm>>
    %dma_start3A_12 = arith.constant 0 : i32
    %dma_start3A_13 = tpu.memref_slice %arg2[%add3A_8, %dma_start3A_12] : memref<8192x1024xf32, #tpu.memory_space<hbm>> -> memref<8x1024xf32, #tpu.memory_space<hbm>>
    tpu.enqueue_dma source(%dma_start3A_13 : memref<8x1024xf32, #tpu.memory_space<hbm>>) target(%arg7 : memref<8x1024xf32, #tpu.memory_space<vmem>>) target_semaphore(%arg19 : memref<!tpu.dma_semaphore, #tpu.memory_space<semaphore_mem>>)
    %dma_start3A_14 = arith.constant 0 : i32
    %dma_start3A_15 = tpu.memref_slice %arg3[%add3A_10, %dma_start3A_14] : memref<16383x1024xf32, #tpu.memory_space<hbm>> -> memref<8x1024xf32, #tpu.memory_space<hbm>>
    %dma_start3A_16 = arith.constant 0 : i32
    %dma_start3A_17 = tpu.memref_slice %arg3[%add3A_10, %dma_start3A_16] : memref<16383x1024xf32, #tpu.memory_space<hbm>> -> memref<8x1024xf32, #tpu.memory_space<hbm>>
    tpu.enqueue_dma source(%dma_start3A_17 : memref<8x1024xf32, #tpu.memory_space<hbm>>) target(%arg11 : memref<8x1024xf32, #tpu.memory_space<vmem>>) target_semaphore(%arg19 : memref<!tpu.dma_semaphore, #tpu.memory_space<semaphore_mem>>)
    %add3A_18 = arith.constant 8 : i32
    %add3A_19 = arith.addi %mul3A_2, %add3A_18 : i32
    %add3A_20 = arith.constant 4096 : i32
    %add3A_21 = arith.addi %add3A_20, %add3A_19 : i32
    %dma_start3A_22 = arith.constant 0 : i32
    %dma_start3A_23 = tpu.memref_slice %arg2[%add3A_19, %dma_start3A_22] : memref<8192x1024xf32, #tpu.memory_space<hbm>> -> memref<8x1024xf32, #tpu.memory_space<hbm>>
    %dma_start3A_24 = arith.constant 0 : i32
    %dma_start3A_25 = tpu.memref_slice %arg2[%add3A_19, %dma_start3A_24] : memref<8192x1024xf32, #tpu.memory_space<hbm>> -> memref<8x1024xf32, #tpu.memory_space<hbm>>
    tpu.enqueue_dma source(%dma_start3A_25 : memref<8x1024xf32, #tpu.memory_space<hbm>>) target(%arg8 : memref<8x1024xf32, #tpu.memory_space<vmem>>) target_semaphore(%arg20 : memref<!tpu.dma_semaphore, #tpu.memory_space<semaphore_mem>>)
    %dma_start3A_26 = arith.constant 0 : i32
    %dma_start3A_27 = tpu.memref_slice %arg3[%add3A_21, %dma_start3A_26] : memref<16383x1024xf32, #tpu.memory_space<hbm>> -> memref<8x1024xf32, #tpu.memory_space<hbm>>
    %dma_start3A_28 = arith.constant 0 : i32
    %dma_start3A_29 = tpu.memref_slice %arg3[%add3A_21, %dma_start3A_28] : memref<16383x1024xf32, #tpu.memory_space<hbm>> -> memref<8x1024xf32, #tpu.memory_space<hbm>>
    tpu.enqueue_dma source(%dma_start3A_29 : memref<8x1024xf32, #tpu.memory_space<hbm>>) target(%arg12 : memref<8x1024xf32, #tpu.memory_space<vmem>>) target_semaphore(%arg20 : memref<!tpu.dma_semaphore, #tpu.memory_space<semaphore_mem>>)
    %add3A_30 = arith.constant 16 : i32
    %add3A_31 = arith.addi %mul3A_2, %add3A_30 : i32
    %add3A_32 = arith.constant 4096 : i32
    %add3A_33 = arith.addi %add3A_32, %add3A_31 : i32
    %dma_start3A_34 = arith.constant 0 : i32
    %dma_start3A_35 = tpu.memref_slice %arg2[%add3A_31, %dma_start3A_34] : memref<8192x1024xf32, #tpu.memory_space<hbm>> -> memref<8x1024xf32, #tpu.memory_space<hbm>>
    %dma_start3A_36 = arith.constant 0 : i32
    %dma_start3A_37 = tpu.memref_slice %arg2[%add3A_31, %dma_start3A_36] : memref<8192x1024xf32, #tpu.memory_space<hbm>> -> memref<8x1024xf32, #tpu.memory_space<hbm>>
    tpu.enqueue_dma source(%dma_start3A_37 : memref<8x1024xf32, #tpu.memory_space<hbm>>) target(%arg9 : memref<8x1024xf32, #tpu.memory_space<vmem>>) target_semaphore(%arg21 : memref<!tpu.dma_semaphore, #tpu.memory_space<semaphore_mem>>)
    %dma_start3A_38 = arith.constant 0 : i32
    %dma_start3A_39 = tpu.memref_slice %arg3[%add3A_33, %dma_start3A_38] : memref<16383x1024xf32, #tpu.memory_space<hbm>> -> memref<8x1024xf32, #tpu.memory_space<hbm>>
    %dma_start3A_40 = arith.constant 0 : i32
    %dma_start3A_41 = tpu.memref_slice %arg3[%add3A_33, %dma_start3A_40] : memref<16383x1024xf32, #tpu.memory_space<hbm>> -> memref<8x1024xf32, #tpu.memory_space<hbm>>
    tpu.enqueue_dma source(%dma_start3A_41 : memref<8x1024xf32, #tpu.memory_space<hbm>>) target(%arg13 : memref<8x1024xf32, #tpu.memory_space<vmem>>) target_semaphore(%arg21 : memref<!tpu.dma_semaphore, #tpu.memory_space<semaphore_mem>>)
    %scan3A = arith.constant 0 : i32
    %scan3A_42 = arith.constant 4 : i32
    %scan3A_43 = arith.addi %scan3A, %scan3A_42 : i32
    %scan3A_44 = arith.constant 1 : i32
    scf.for %scan3A_69 = %scan3A to %scan3A_43 step %scan3A_44  : i32 {
      %mul3A_70 = arith.constant 4 : i32
      %mul3A_71 = arith.muli %scan3A_69, %mul3A_70 : i32
      %add3A_72 = arith.constant 0 : i32
      %add3A_73 = arith.addi %mul3A_71, %add3A_72 : i32
      %add3A_74 = arith.constant 4 : i32
      %add3A_75 = arith.addi %add3A_73, %add3A_74 : i32
      %sub3A_76 = arith.constant 1 : i32
      %sub3A_77 = arith.subi %add3A_75, %sub3A_76 : i32
      %mul3A_78 = arith.constant 8 : i32
      %mul3A_79 = arith.muli %add3A_73, %mul3A_78 : i32
      %add3A_80 = arith.addi %mul3A_2, %mul3A_79 : i32
      %add3A_81 = arith.constant 4096 : i32
      %add3A_82 = arith.addi %add3A_81, %add3A_80 : i32
      %dma_wait3A_83 = arith.constant 0 : i32
      %dma_wait3A_84 = tpu.memref_slice %arg2[%add3A_80, %dma_wait3A_83] : memref<8192x1024xf32, #tpu.memory_space<hbm>> -> memref<8x1024xf32, #tpu.memory_space<hbm>>
      %dma_wait3A_85 = arith.constant 0 : i32
      %dma_wait3A_86 = tpu.memref_slice %arg2[%add3A_80, %dma_wait3A_85] : memref<8192x1024xf32, #tpu.memory_space<hbm>> -> memref<8x1024xf32, #tpu.memory_space<hbm>>
      tpu.wait_dma2 semaphore(%arg19 : memref<!tpu.dma_semaphore, #tpu.memory_space<semaphore_mem>>) src(%dma_wait3A_86 : memref<8x1024xf32, #tpu.memory_space<hbm>>) dst(%arg7 : memref<8x1024xf32, #tpu.memory_space<vmem>>)
      %dma_wait3A_87 = arith.constant 0 : i32
      %dma_wait3A_88 = tpu.memref_slice %arg3[%add3A_82, %dma_wait3A_87] : memref<16383x1024xf32, #tpu.memory_space<hbm>> -> memref<8x1024xf32, #tpu.memory_space<hbm>>
      %dma_wait3A_89 = arith.constant 0 : i32
      %dma_wait3A_90 = tpu.memref_slice %arg3[%add3A_82, %dma_wait3A_89] : memref<16383x1024xf32, #tpu.memory_space<hbm>> -> memref<8x1024xf32, #tpu.memory_space<hbm>>
      tpu.wait_dma2 semaphore(%arg19 : memref<!tpu.dma_semaphore, #tpu.memory_space<semaphore_mem>>) src(%dma_wait3A_90 : memref<8x1024xf32, #tpu.memory_space<hbm>>) dst(%arg11 : memref<8x1024xf32, #tpu.memory_space<vmem>>)
      %ge3A = arith.constant 4 : i32
      %ge3A_91 = arith.cmpi sge, %add3A_73, %ge3A : i32
      %convert_element_type3A = arith.extui %ge3A_91 : i1 to i32
      %cond3A = arith.constant 0 : i32
      %cond3A_92 = arith.cmpi ne, %convert_element_type3A, %cond3A : i32
      scf.if %cond3A_92 {
        %sub3A_238 = arith.constant 4 : i32
        %sub3A_239 = arith.subi %add3A_73, %sub3A_238 : i32
        %mul3A_240 = arith.constant 8 : i32
        %mul3A_241 = arith.muli %sub3A_239, %mul3A_240 : i32
        %add3A_242 = arith.addi %mul3A_2, %mul3A_241 : i32
        %dma_wait3A_243 = arith.constant 0 : i32
        %dma_wait3A_244 = tpu.memref_slice %arg5[%add3A_242, %dma_wait3A_243] : memref<4096x1024xf32, #tpu.memory_space<hbm>> -> memref<8x1024xf32, #tpu.memory_space<hbm>>
        %dma_wait3A_245 = arith.constant 0 : i32
        %dma_wait3A_246 = tpu.memref_slice %arg5[%add3A_242, %dma_wait3A_245] : memref<4096x1024xf32, #tpu.memory_space<hbm>> -> memref<8x1024xf32, #tpu.memory_space<hbm>>
        tpu.wait_dma2 semaphore(%arg23 : memref<!tpu.dma_semaphore, #tpu.memory_space<semaphore_mem>>) src(%arg15 : memref<8x1024xf32, #tpu.memory_space<vmem>>) dst(%dma_wait3A_246 : memref<8x1024xf32, #tpu.memory_space<hbm>>)
      } else {
      }
      %lt3A = arith.constant 16 : i32
      %lt3A_93 = arith.cmpi slt, %sub3A_77, %lt3A : i32
      %convert_element_type3A_94 = arith.extui %lt3A_93 : i1 to i32
      %cond3A_95 = arith.constant 0 : i32
      %cond3A_96 = arith.cmpi ne, %convert_element_type3A_94, %cond3A_95 : i32
      scf.if %cond3A_96 {
        %mul3A_238 = arith.constant 8 : i32
        %mul3A_239 = arith.muli %sub3A_77, %mul3A_238 : i32
        %add3A_240 = arith.addi %mul3A_2, %mul3A_239 : i32
        %add3A_241 = arith.constant 4096 : i32
        %add3A_242 = arith.addi %add3A_241, %add3A_240 : i32
        %dma_start3A_243 = arith.constant 0 : i32
        %dma_start3A_244 = tpu.memref_slice %arg2[%add3A_240, %dma_start3A_243] : memref<8192x1024xf32, #tpu.memory_space<hbm>> -> memref<8x1024xf32, #tpu.memory_space<hbm>>
        %dma_start3A_245 = arith.constant 0 : i32
        %dma_start3A_246 = tpu.memref_slice %arg2[%add3A_240, %dma_start3A_245] : memref<8192x1024xf32, #tpu.memory_space<hbm>> -> memref<8x1024xf32, #tpu.memory_space<hbm>>
        tpu.enqueue_dma source(%dma_start3A_246 : memref<8x1024xf32, #tpu.memory_space<hbm>>) target(%arg10 : memref<8x1024xf32, #tpu.memory_space<vmem>>) target_semaphore(%arg22 : memref<!tpu.dma_semaphore, #tpu.memory_space<semaphore_mem>>)
        %dma_start3A_247 = arith.constant 0 : i32
        %dma_start3A_248 = tpu.memref_slice %arg3[%add3A_242, %dma_start3A_247] : memref<16383x1024xf32, #tpu.memory_space<hbm>> -> memref<8x1024xf32, #tpu.memory_space<hbm>>
        %dma_start3A_249 = arith.constant 0 : i32
        %dma_start3A_250 = tpu.memref_slice %arg3[%add3A_242, %dma_start3A_249] : memref<16383x1024xf32, #tpu.memory_space<hbm>> -> memref<8x1024xf32, #tpu.memory_space<hbm>>
        tpu.enqueue_dma source(%dma_start3A_250 : memref<8x1024xf32, #tpu.memory_space<hbm>>) target(%arg14 : memref<8x1024xf32, #tpu.memory_space<vmem>>) target_semaphore(%arg22 : memref<!tpu.dma_semaphore, #tpu.memory_space<semaphore_mem>>)
      } else {
      }
      %scan3A_97 = arith.constant 0 : i32
      %scan3A_98 = arith.constant 64 : i32
      %scan3A_99 = arith.addi %scan3A_97, %scan3A_98 : i32
      %scan3A_100 = arith.constant 1 : i32
      scf.for %scan3A_238 = %scan3A_97 to %scan3A_99 step %scan3A_100  : i32 {
        %jit3A = arith.constant 8 : i32
        %div3A = arith.divsi %scan3A_238, %jit3A : i32
        %sign3A = arith.constant 0 : i32
        %sign3A_239 = arith.cmpi sgt, %scan3A_238, %sign3A : i32
        %sign3A_240 = arith.extui %sign3A_239 : i1 to i32
        %sign3A_241 = arith.constant 0 : i32
        %sign3A_242 = arith.cmpi slt, %scan3A_238, %sign3A_241 : i32
        %sign3A_243 = arith.extui %sign3A_242 : i1 to i32
        %sign3A_244 = arith.subi %sign3A_240, %sign3A_243 : i32
        %sign3A_245 = arith.constant 0 : i32
        %sign3A_246 = arith.cmpi sgt, %jit3A, %sign3A_245 : i32
        %sign3A_247 = arith.extui %sign3A_246 : i1 to i32
        %sign3A_248 = arith.constant 0 : i32
        %sign3A_249 = arith.cmpi slt, %jit3A, %sign3A_248 : i32
        %sign3A_250 = arith.extui %sign3A_249 : i1 to i32
        %sign3A_251 = arith.subi %sign3A_247, %sign3A_250 : i32
        %ne3A = arith.cmpi ne, %sign3A_244, %sign3A_251 : i32
        %rem3A = arith.remsi %scan3A_238, %jit3A : i32
        %ne3A_252 = arith.constant 0 : i32
        %ne3A_253 = arith.cmpi ne, %rem3A, %ne3A_252 : i32
        %and3A = arith.andi %ne3A, %ne3A_253 : i1
        %sub3A_254 = arith.constant 1 : i32
        %sub3A_255 = arith.subi %div3A, %sub3A_254 : i32
        %select_n3A = arith.select %and3A, %sub3A_255, %div3A : i32
        %jit3A_256 = arith.constant 8 : i32
        %eq3A = arith.constant 0 : i32
        %eq3A_257 = arith.cmpi eq, %jit3A_256, %eq3A : i32
        %jit3A_258 = arith.constant 1 : i32
        %select_n3A_259 = arith.select %eq3A_257, %jit3A_258, %jit3A_256 : i32
        %rem3A_260 = arith.remsi %scan3A_238, %select_n3A_259 : i32
        %ne3A_261 = arith.constant 0 : i32
        %ne3A_262 = arith.cmpi ne, %rem3A_260, %ne3A_261 : i32
        %lt3A_263 = arith.constant 0 : i32
        %lt3A_264 = arith.cmpi slt, %rem3A_260, %lt3A_263 : i32
        %lt3A_265 = arith.constant 0 : i32
        %lt3A_266 = arith.cmpi slt, %select_n3A_259, %lt3A_265 : i32
        %ne3A_267 = arith.xori %lt3A_264, %lt3A_266 : i1
        %and3A_268 = arith.andi %ne3A_267, %ne3A_262 : i1
        %add3A_269 = arith.addi %rem3A_260, %select_n3A_259 : i32
        %select_n3A_270 = arith.select %and3A_268, %add3A_269, %rem3A_260 : i32
        %mul3A_271 = arith.constant 128 : i32
        %mul3A_272 = arith.muli %select_n3A_270, %mul3A_271 : i32
        %add3A_273 = arith.constant 0 : i32
        %add3A_274 = arith.addi %mul3A_272, %add3A_273 : i32
        %get3A_275 = arith.index_cast %select_n3A : i32 to index
        %get3A_276 = arith.index_cast %add3A_274 : i32 to index
        %get3A_277 = tpu.vector_load %arg7[%get3A_275, %get3A_276] {strides = array<i32>} : memref<8x1024xf32, #tpu.memory_space<vmem>>, vector<1x16xf32>,
        %get3A_278 = vector.shape_cast %get3A_277 : vector<1x16xf32> to vector<16xf32>
        %mul3A_279 = arith.mulf %get3A_4, %get3A_278 : vector<16xf32>
        %get3A_280 = arith.index_cast %select_n3A : i32 to index
        %get3A_281 = arith.index_cast %add3A_274 : i32 to index
        %get3A_282 = tpu.vector_load %arg11[%get3A_280, %get3A_281] {strides = array<i32>} : memref<8x1024xf32, #tpu.memory_space<vmem>>, vector<1x16xf32>,
        %get3A_283 = vector.shape_cast %get3A_282 : vector<1x16xf32> to vector<16xf32>
        %mul3A_284 = arith.mulf %sub3A_6, %get3A_283 : vector<16xf32>
        %add3A_285 = arith.addf %mul3A_279, %mul3A_284 : vector<16xf32>
        %swap3A = arith.index_cast %select_n3A : i32 to index
        %swap3A_286 = arith.index_cast %add3A_274 : i32 to index
        %swap3A_287 = tpu.vector_load %arg15[%swap3A, %swap3A_286] {strides = array<i32>} : memref<8x1024xf32, #tpu.memory_space<vmem>>, vector<1x16xf32>,
        %swap3A_288 = vector.shape_cast %swap3A_287 : vector<1x16xf32> to vector<16xf32>
        %swap3A_289 = vector.shape_cast %add3A_285 : vector<16xf32> to vector<1x16xf32>
        tpu.vector_store %arg15[%swap3A, %swap3A_286], %swap3A_289 {strides = array<i32>} : memref<8x1024xf32, #tpu.memory_space<vmem>>, vector<1x16xf32>,
        %add3A_290 = arith.constant 16 : i32
        %add3A_291 = arith.addi %mul3A_272, %add3A_290 : i32
        %get3A_292 = arith.index_cast %select_n3A : i32 to index
        %get3A_293 = arith.index_cast %add3A_291 : i32 to index
        %get3A_294 = tpu.vector_load %arg7[%get3A_292, %get3A_293] {strides = array<i32>} : memref<8x1024xf32, #tpu.memory_space<vmem>>, vector<1x16xf32>,
        %get3A_295 = vector.shape_cast %get3A_294 : vector<1x16xf32> to vector<16xf32>
        %mul3A_296 = arith.mulf %get3A_4, %get3A_295 : vector<16xf32>
        %get3A_297 = arith.index_cast %select_n3A : i32 to index
        %get3A_298 = arith.index_cast %add3A_291 : i32 to index
        %get3A_299 = tpu.vector_load %arg11[%get3A_297, %get3A_298] {strides = array<i32>} : memref<8x1024xf32, #tpu.memory_space<vmem>>, vector<1x16xf32>,
        %get3A_300 = vector.shape_cast %get3A_299 : vector<1x16xf32> to vector<16xf32>
        %mul3A_301 = arith.mulf %sub3A_6, %get3A_300 : vector<16xf32>
        %add3A_302 = arith.addf %mul3A_296, %mul3A_301 : vector<16xf32>
        %swap3A_303 = arith.index_cast %select_n3A : i32 to index
        %swap3A_304 = arith.index_cast %add3A_291 : i32 to index
        %swap3A_305 = tpu.vector_load %arg15[%swap3A_303, %swap3A_304] {strides = array<i32>} : memref<8x1024xf32, #tpu.memory_space<vmem>>, vector<1x16xf32>,
        %swap3A_306 = vector.shape_cast %swap3A_305 : vector<1x16xf32> to vector<16xf32>
        %swap3A_307 = vector.shape_cast %add3A_302 : vector<16xf32> to vector<1x16xf32>
        tpu.vector_store %arg15[%swap3A_303, %swap3A_304], %swap3A_307 {strides = array<i32>} : memref<8x1024xf32, #tpu.memory_space<vmem>>, vector<1x16xf32>,
        %add3A_308 = arith.constant 32 : i32
        %add3A_309 = arith.addi %mul3A_272, %add3A_308 : i32
        %get3A_310 = arith.index_cast %select_n3A : i32 to index
        %get3A_311 = arith.index_cast %add3A_309 : i32 to index
        %get3A_312 = tpu.vector_load %arg7[%get3A_310, %get3A_311] {strides = array<i32>} : memref<8x1024xf32, #tpu.memory_space<vmem>>, vector<1x16xf32>,
        %get3A_313 = vector.shape_cast %get3A_312 : vector<1x16xf32> to vector<16xf32>
        %mul3A_314 = arith.mulf %get3A_4, %get3A_313 : vector<16xf32>
        %get3A_315 = arith.index_cast %select_n3A : i32 to index
        %get3A_316 = arith.index_cast %add3A_309 : i32 to index
        %get3A_317 = tpu.vector_load %arg11[%get3A_315, %get3A_316] {strides = array<i32>} : memref<8x1024xf32, #tpu.memory_space<vmem>>, vector<1x16xf32>,
        %get3A_318 = vector.shape_cast %get3A_317 : vector<1x16xf32> to vector<16xf32>
        %mul3A_319 = arith.mulf %sub3A_6, %get3A_318 : vector<16xf32>
        %add3A_320 = arith.addf %mul3A_314, %mul3A_319 : vector<16xf32>
        %swap3A_321 = arith.index_cast %select_n3A : i32 to index
        %swap3A_322 = arith.index_cast %add3A_309 : i32 to index
        %swap3A_323 = tpu.vector_load %arg15[%swap3A_321, %swap3A_322] {strides = array<i32>} : memref<8x1024xf32, #tpu.memory_space<vmem>>, vector<1x16xf32>,
        %swap3A_324 = vector.shape_cast %swap3A_323 : vector<1x16xf32> to vector<16xf32>
        %swap3A_325 = vector.shape_cast %add3A_320 : vector<16xf32> to vector<1x16xf32>
        tpu.vector_store %arg15[%swap3A_321, %swap3A_322], %swap3A_325 {strides = array<i32>} : memref<8x1024xf32, #tpu.memory_space<vmem>>, vector<1x16xf32>,
        %add3A_326 = arith.constant 48 : i32
        %add3A_327 = arith.addi %mul3A_272, %add3A_326 : i32
        %get3A_328 = arith.index_cast %select_n3A : i32 to index
        %get3A_329 = arith.index_cast %add3A_327 : i32 to index
        %get3A_330 = tpu.vector_load %arg7[%get3A_328, %get3A_329] {strides = array<i32>} : memref<8x1024xf32, #tpu.memory_space<vmem>>, vector<1x16xf32>,
        %get3A_331 = vector.shape_cast %get3A_330 : vector<1x16xf32> to vector<16xf32>
        %mul3A_332 = arith.mulf %get3A_4, %get3A_331 : vector<16xf32>
        %get3A_333 = arith.index_cast %select_n3A : i32 to index
        %get3A_334 = arith.index_cast %add3A_327 : i32 to index
        %get3A_335 = tpu.vector_load %arg11[%get3A_333, %get3A_334] {strides = array<i32>} : memref<8x1024xf32, #tpu.memory_space<vmem>>, vector<1x16xf32>,
        %get3A_336 = vector.shape_cast %get3A_335 : vector<1x16xf32> to vector<16xf32>
        %mul3A_337 = arith.mulf %sub3A_6, %get3A_336 : vector<16xf32>
        %add3A_338 = arith.addf %mul3A_332, %mul3A_337 : vector<16xf32>
        %swap3A_339 = arith.index_cast %select_n3A : i32 to index
        %swap3A_340 = arith.index_cast %add3A_327 : i32 to index
        %swap3A_341 = tpu.vector_load %arg15[%swap3A_339, %swap3A_340] {strides = array<i32>} : memref<8x1024xf32, #tpu.memory_space<vmem>>, vector<1x16xf32>,
        %swap3A_342 = vector.shape_cast %swap3A_341 : vector<1x16xf32> to vector<16xf32>
        %swap3A_343 = vector.shape_cast %add3A_338 : vector<16xf32> to vector<1x16xf32>
        tpu.vector_store %arg15[%swap3A_339, %swap3A_340], %swap3A_343 {strides = array<i32>} : memref<8x1024xf32, #tpu.memory_space<vmem>>, vector<1x16xf32>,
        %add3A_344 = arith.constant 64 : i32
        %add3A_345 = arith.addi %mul3A_272, %add3A_344 : i32
        %get3A_346 = arith.index_cast %select_n3A : i32 to index
        %get3A_347 = arith.index_cast %add3A_345 : i32 to index
        %get3A_348 = tpu.vector_load %arg7[%get3A_346, %get3A_347] {strides = array<i32>} : memref<8x1024xf32, #tpu.memory_space<vmem>>, vector<1x16xf32>,
        %get3A_349 = vector.shape_cast %get3A_348 : vector<1x16xf32> to vector<16xf32>
        %mul3A_350 = arith.mulf %get3A_4, %get3A_349 : vector<16xf32>
        %get3A_351 = arith.index_cast %select_n3A : i32 to index
        %get3A_352 = arith.index_cast %add3A_345 : i32 to index
        %get3A_353 = tpu.vector_load %arg11[%get3A_351, %get3A_352] {strides = array<i32>} : memref<8x1024xf32, #tpu.memory_space<vmem>>, vector<1x16xf32>,
        %get3A_354 = vector.shape_cast %get3A_353 : vector<1x16xf32> to vector<16xf32>
        %mul3A_355 = arith.mulf %sub3A_6, %get3A_354 : vector<16xf32>
        %add3A_356 = arith.addf %mul3A_350, %mul3A_355 : vector<16xf32>
        %swap3A_357 = arith.index_cast %select_n3A : i32 to index
        %swap3A_358 = arith.index_cast %add3A_345 : i32 to index
        %swap3A_359 = tpu.vector_load %arg15[%swap3A_357, %swap3A_358] {strides = array<i32>} : memref<8x1024xf32, #tpu.memory_space<vmem>>, vector<1x16xf32>,
        %swap3A_360 = vector.shape_cast %swap3A_359 : vector<1x16xf32> to vector<16xf32>
        %swap3A_361 = vector.shape_cast %add3A_356 : vector<16xf32> to vector<1x16xf32>
        tpu.vector_store %arg15[%swap3A_357, %swap3A_358], %swap3A_361 {strides = array<i32>} : memref<8x1024xf32, #tpu.memory_space<vmem>>, vector<1x16xf32>,
        %add3A_362 = arith.constant 80 : i32
        %add3A_363 = arith.addi %mul3A_272, %add3A_362 : i32
        %get3A_364 = arith.index_cast %select_n3A : i32 to index
        %get3A_365 = arith.index_cast %add3A_363 : i32 to index
        %get3A_366 = tpu.vector_load %arg7[%get3A_364, %get3A_365] {strides = array<i32>} : memref<8x1024xf32, #tpu.memory_space<vmem>>, vector<1x16xf32>,
        %get3A_367 = vector.shape_cast %get3A_366 : vector<1x16xf32> to vector<16xf32>
        %mul3A_368 = arith.mulf %get3A_4, %get3A_367 : vector<16xf32>
        %get3A_369 = arith.index_cast %select_n3A : i32 to index
        %get3A_370 = arith.index_cast %add3A_363 : i32 to index
        %get3A_371 = tpu.vector_load %arg11[%get3A_369, %get3A_370] {strides = array<i32>} : memref<8x1024xf32, #tpu.memory_space<vmem>>, vector<1x16xf32>,
        %get3A_372 = vector.shape_cast %get3A_371 : vector<1x16xf32> to vector<16xf32>
        %mul3A_373 = arith.mulf %sub3A_6, %get3A_372 : vector<16xf32>
        %add3A_374 = arith.addf %mul3A_368, %mul3A_373 : vector<16xf32>
        %swap3A_375 = arith.index_cast %select_n3A : i32 to index
        %swap3A_376 = arith.index_cast %add3A_363 : i32 to index
        %swap3A_377 = tpu.vector_load %arg15[%swap3A_375, %swap3A_376] {strides = array<i32>} : memref<8x1024xf32, #tpu.memory_space<vmem>>, vector<1x16xf32>,
        %swap3A_378 = vector.shape_cast %swap3A_377 : vector<1x16xf32> to vector<16xf32>
        %swap3A_379 = vector.shape_cast %add3A_374 : vector<16xf32> to vector<1x16xf32>
        tpu.vector_store %arg15[%swap3A_375, %swap3A_376], %swap3A_379 {strides = array<i32>} : memref<8x1024xf32, #tpu.memory_space<vmem>>, vector<1x16xf32>,
        %add3A_380 = arith.constant 96 : i32
        %add3A_381 = arith.addi %mul3A_272, %add3A_380 : i32
        %get3A_382 = arith.index_cast %select_n3A : i32 to index
        %get3A_383 = arith.index_cast %add3A_381 : i32 to index
        %get3A_384 = tpu.vector_load %arg7[%get3A_382, %get3A_383] {strides = array<i32>} : memref<8x1024xf32, #tpu.memory_space<vmem>>, vector<1x16xf32>,
        %get3A_385 = vector.shape_cast %get3A_384 : vector<1x16xf32> to vector<16xf32>
        %mul3A_386 = arith.mulf %get3A_4, %get3A_385 : vector<16xf32>
        %get3A_387 = arith.index_cast %select_n3A : i32 to index
        %get3A_388 = arith.index_cast %add3A_381 : i32 to index
        %get3A_389 = tpu.vector_load %arg11[%get3A_387, %get3A_388] {strides = array<i32>} : memref<8x1024xf32, #tpu.memory_space<vmem>>, vector<1x16xf32>,
        %get3A_390 = vector.shape_cast %get3A_389 : vector<1x16xf32> to vector<16xf32>
        %mul3A_391 = arith.mulf %sub3A_6, %get3A_390 : vector<16xf32>
        %add3A_392 = arith.addf %mul3A_386, %mul3A_391 : vector<16xf32>
        %swap3A_393 = arith.index_cast %select_n3A : i32 to index
        %swap3A_394 = arith.index_cast %add3A_381 : i32 to index
        %swap3A_395 = tpu.vector_load %arg15[%swap3A_393, %swap3A_394] {strides = array<i32>} : memref<8x1024xf32, #tpu.memory_space<vmem>>, vector<1x16xf32>,
        %swap3A_396 = vector.shape_cast %swap3A_395 : vector<1x16xf32> to vector<16xf32>
        %swap3A_397 = vector.shape_cast %add3A_392 : vector<16xf32> to vector<1x16xf32>
        tpu.vector_store %arg15[%swap3A_393, %swap3A_394], %swap3A_397 {strides = array<i32>} : memref<8x1024xf32, #tpu.memory_space<vmem>>, vector<1x16xf32>,
        %add3A_398 = arith.constant 112 : i32
        %add3A_399 = arith.addi %mul3A_272, %add3A_398 : i32
        %get3A_400 = arith.index_cast %select_n3A : i32 to index
        %get3A_401 = arith.index_cast %add3A_399 : i32 to index
        %get3A_402 = tpu.vector_load %arg7[%get3A_400, %get3A_401] {strides = array<i32>} : memref<8x1024xf32, #tpu.memory_space<vmem>>, vector<1x16xf32>,
        %get3A_403 = vector.shape_cast %get3A_402 : vector<1x16xf32> to vector<16xf32>
        %mul3A_404 = arith.mulf %get3A_4, %get3A_403 : vector<16xf32>
        %get3A_405 = arith.index_cast %select_n3A : i32 to index
        %get3A_406 = arith.index_cast %add3A_399 : i32 to index
        %get3A_407 = tpu.vector_load %arg11[%get3A_405, %get3A_406] {strides = array<i32>} : memref<8x1024xf32, #tpu.memory_space<vmem>>, vector<1x16xf32>,
        %get3A_408 = vector.shape_cast %get3A_407 : vector<1x16xf32> to vector<16xf32>
        %mul3A_409 = arith.mulf %sub3A_6, %get3A_408 : vector<16xf32>
        %add3A_410 = arith.addf %mul3A_404, %mul3A_409 : vector<16xf32>
        %swap3A_411 = arith.index_cast %select_n3A : i32 to index
        %swap3A_412 = arith.index_cast %add3A_399 : i32 to index
        %swap3A_413 = tpu.vector_load %arg15[%swap3A_411, %swap3A_412] {strides = array<i32>} : memref<8x1024xf32, #tpu.memory_space<vmem>>, vector<1x16xf32>,
        %swap3A_414 = vector.shape_cast %swap3A_413 : vector<1x16xf32> to vector<16xf32>
        %swap3A_415 = vector.shape_cast %add3A_410 : vector<16xf32> to vector<1x16xf32>
        tpu.vector_store %arg15[%swap3A_411, %swap3A_412], %swap3A_415 {strides = array<i32>} : memref<8x1024xf32, #tpu.memory_space<vmem>>, vector<1x16xf32>,
      }
      %scan3A_101 = arith.constant 64 : i32
      %mul3A_102 = arith.constant 8 : i32
      %mul3A_103 = arith.muli %add3A_73, %mul3A_102 : i32
      %add3A_104 = arith.addi %mul3A_2, %mul3A_103 : i32
      %dma_start3A_105 = arith.constant 0 : i32
      %dma_start3A_106 = tpu.memref_slice %arg5[%add3A_104, %dma_start3A_105] : memref<4096x1024xf32, #tpu.memory_space<hbm>> -> memref<8x1024xf32, #tpu.memory_space<hbm>>
      %dma_start3A_107 = arith.constant 0 : i32
      %dma_start3A_108 = tpu.memref_slice %arg5[%add3A_104, %dma_start3A_107] : memref<4096x1024xf32, #tpu.memory_space<hbm>> -> memref<8x1024xf32, #tpu.memory_space<hbm>>
      tpu.enqueue_dma source(%arg15 : memref<8x1024xf32, #tpu.memory_space<vmem>>) target(%dma_start3A_108 : memref<8x1024xf32, #tpu.memory_space<hbm>>) target_semaphore(%arg23 : memref<!tpu.dma_semaphore, #tpu.memory_space<semaphore_mem>>)
      %mul3A_109 = arith.constant 4 : i32
      %mul3A_110 = arith.muli %scan3A_69, %mul3A_109 : i32
      %add3A_111 = arith.constant 1 : i32
      %add3A_112 = arith.addi %mul3A_110, %add3A_111 : i32
      %add3A_113 = arith.constant 4 : i32
      %add3A_114 = arith.addi %add3A_112, %add3A_113 : i32
      %sub3A_115 = arith.constant 1 : i32
      %sub3A_116 = arith.subi %add3A_114, %sub3A_115 : i32
      %mul3A_117 = arith.constant 8 : i32
      %mul3A_118 = arith.muli %add3A_112, %mul3A_117 : i32
      %add3A_119 = arith.addi %mul3A_2, %mul3A_118 : i32
      %add3A_120 = arith.constant 4096 : i32
      %add3A_121 = arith.addi %add3A_120, %add3A_119 : i32
      %dma_wait3A_122 = arith.constant 0 : i32
      %dma_wait3A_123 = tpu.memref_slice %arg2[%add3A_119, %dma_wait3A_122] : memref<8192x1024xf32, #tpu.memory_space<hbm>> -> memref<8x1024xf32, #tpu.memory_space<hbm>>
      %dma_wait3A_124 = arith.constant 0 : i32
      %dma_wait3A_125 = tpu.memref_slice %arg2[%add3A_119, %dma_wait3A_124] : memref<8192x1024xf32, #tpu.memory_space<hbm>> -> memref<8x1024xf32, #tpu.memory_space<hbm>>
      tpu.wait_dma2 semaphore(%arg20 : memref<!tpu.dma_semaphore, #tpu.memory_space<semaphore_mem>>) src(%dma_wait3A_125 : memref<8x1024xf32, #tpu.memory_space<hbm>>) dst(%arg8 : memref<8x1024xf32, #tpu.memory_space<vmem>>)
      %dma_wait3A_126 = arith.constant 0 : i32
      %dma_wait3A_127 = tpu.memref_slice %arg3[%add3A_121, %dma_wait3A_126] : memref<16383x1024xf32, #tpu.memory_space<hbm>> -> memref<8x1024xf32, #tpu.memory_space<hbm>>
      %dma_wait3A_128 = arith.constant 0 : i32
      %dma_wait3A_129 = tpu.memref_slice %arg3[%add3A_121, %dma_wait3A_128] : memref<16383x1024xf32, #tpu.memory_space<hbm>> -> memref<8x1024xf32, #tpu.memory_space<hbm>>
      tpu.wait_dma2 semaphore(%arg20 : memref<!tpu.dma_semaphore, #tpu.memory_space<semaphore_mem>>) src(%dma_wait3A_129 : memref<8x1024xf32, #tpu.memory_space<hbm>>) dst(%arg12 : memref<8x1024xf32, #tpu.memory_space<vmem>>)
      %ge3A_130 = arith.constant 4 : i32
      %ge3A_131 = arith.cmpi sge, %add3A_112, %ge3A_130 : i32
      %convert_element_type3A_132 = arith.extui %ge3A_131 : i1 to i32
      %cond3A_133 = arith.constant 0 : i32
      %cond3A_134 = arith.cmpi ne, %convert_element_type3A_132, %cond3A_133 : i32
      scf.if %cond3A_134 {
        %sub3A_238 = arith.constant 4 : i32
        %sub3A_239 = arith.subi %add3A_112, %sub3A_238 : i32
        %mul3A_240 = arith.constant 8 : i32
        %mul3A_241 = arith.muli %sub3A_239, %mul3A_240 : i32
        %add3A_242 = arith.addi %mul3A_2, %mul3A_241 : i32
        %dma_wait3A_243 = arith.constant 0 : i32
        %dma_wait3A_244 = tpu.memref_slice %arg5[%add3A_242, %dma_wait3A_243] : memref<4096x1024xf32, #tpu.memory_space<hbm>> -> memref<8x1024xf32, #tpu.memory_space<hbm>>
        %dma_wait3A_245 = arith.constant 0 : i32
        %dma_wait3A_246 = tpu.memref_slice %arg5[%add3A_242, %dma_wait3A_245] : memref<4096x1024xf32, #tpu.memory_space<hbm>> -> memref<8x1024xf32, #tpu.memory_space<hbm>>
        tpu.wait_dma2 semaphore(%arg24 : memref<!tpu.dma_semaphore, #tpu.memory_space<semaphore_mem>>) src(%arg16 : memref<8x1024xf32, #tpu.memory_space<vmem>>) dst(%dma_wait3A_246 : memref<8x1024xf32, #tpu.memory_space<hbm>>)
      } else {
      }
      %lt3A_135 = arith.constant 16 : i32
      %lt3A_136 = arith.cmpi slt, %sub3A_116, %lt3A_135 : i32
      %convert_element_type3A_137 = arith.extui %lt3A_136 : i1 to i32
      %cond3A_138 = arith.constant 0 : i32
      %cond3A_139 = arith.cmpi ne, %convert_element_type3A_137, %cond3A_138 : i32
      scf.if %cond3A_139 {
        %mul3A_238 = arith.constant 8 : i32
        %mul3A_239 = arith.muli %sub3A_116, %mul3A_238 : i32
        %add3A_240 = arith.addi %mul3A_2, %mul3A_239 : i32
        %add3A_241 = arith.constant 4096 : i32
        %add3A_242 = arith.addi %add3A_241, %add3A_240 : i32
        %dma_start3A_243 = arith.constant 0 : i32
        %dma_start3A_244 = tpu.memref_slice %arg2[%add3A_240, %dma_start3A_243] : memref<8192x1024xf32, #tpu.memory_space<hbm>> -> memref<8x1024xf32, #tpu.memory_space<hbm>>
        %dma_start3A_245 = arith.constant 0 : i32
        %dma_start3A_246 = tpu.memref_slice %arg2[%add3A_240, %dma_start3A_245] : memref<8192x1024xf32, #tpu.memory_space<hbm>> -> memref<8x1024xf32, #tpu.memory_space<hbm>>
        tpu.enqueue_dma source(%dma_start3A_246 : memref<8x1024xf32, #tpu.memory_space<hbm>>) target(%arg7 : memref<8x1024xf32, #tpu.memory_space<vmem>>) target_semaphore(%arg19 : memref<!tpu.dma_semaphore, #tpu.memory_space<semaphore_mem>>)
        %dma_start3A_247 = arith.constant 0 : i32
        %dma_start3A_248 = tpu.memref_slice %arg3[%add3A_242, %dma_start3A_247] : memref<16383x1024xf32, #tpu.memory_space<hbm>> -> memref<8x1024xf32, #tpu.memory_space<hbm>>
        %dma_start3A_249 = arith.constant 0 : i32
        %dma_start3A_250 = tpu.memref_slice %arg3[%add3A_242, %dma_start3A_249] : memref<16383x1024xf32, #tpu.memory_space<hbm>> -> memref<8x1024xf32, #tpu.memory_space<hbm>>
        tpu.enqueue_dma source(%dma_start3A_250 : memref<8x1024xf32, #tpu.memory_space<hbm>>) target(%arg11 : memref<8x1024xf32, #tpu.memory_space<vmem>>) target_semaphore(%arg19 : memref<!tpu.dma_semaphore, #tpu.memory_space<semaphore_mem>>)
      } else {
      }
      %scan3A_140 = arith.constant 0 : i32
      %scan3A_141 = arith.constant 64 : i32
      %scan3A_142 = arith.addi %scan3A_140, %scan3A_141 : i32
      %scan3A_143 = arith.constant 1 : i32
      scf.for %scan3A_238 = %scan3A_140 to %scan3A_142 step %scan3A_143  : i32 {
        %jit3A = arith.constant 8 : i32
        %div3A = arith.divsi %scan3A_238, %jit3A : i32
        %sign3A = arith.constant 0 : i32
        %sign3A_239 = arith.cmpi sgt, %scan3A_238, %sign3A : i32
        %sign3A_240 = arith.extui %sign3A_239 : i1 to i32
        %sign3A_241 = arith.constant 0 : i32
        %sign3A_242 = arith.cmpi slt, %scan3A_238, %sign3A_241 : i32
        %sign3A_243 = arith.extui %sign3A_242 : i1 to i32
        %sign3A_244 = arith.subi %sign3A_240, %sign3A_243 : i32
        %sign3A_245 = arith.constant 0 : i32
        %sign3A_246 = arith.cmpi sgt, %jit3A, %sign3A_245 : i32
        %sign3A_247 = arith.extui %sign3A_246 : i1 to i32
        %sign3A_248 = arith.constant 0 : i32
        %sign3A_249 = arith.cmpi slt, %jit3A, %sign3A_248 : i32
        %sign3A_250 = arith.extui %sign3A_249 : i1 to i32
        %sign3A_251 = arith.subi %sign3A_247, %sign3A_250 : i32
        %ne3A = arith.cmpi ne, %sign3A_244, %sign3A_251 : i32
        %rem3A = arith.remsi %scan3A_238, %jit3A : i32
        %ne3A_252 = arith.constant 0 : i32
        %ne3A_253 = arith.cmpi ne, %rem3A, %ne3A_252 : i32
        %and3A = arith.andi %ne3A, %ne3A_253 : i1
        %sub3A_254 = arith.constant 1 : i32
        %sub3A_255 = arith.subi %div3A, %sub3A_254 : i32
        %select_n3A = arith.select %and3A, %sub3A_255, %div3A : i32
        %jit3A_256 = arith.constant 8 : i32
        %eq3A = arith.constant 0 : i32
        %eq3A_257 = arith.cmpi eq, %jit3A_256, %eq3A : i32
        %jit3A_258 = arith.constant 1 : i32
        %select_n3A_259 = arith.select %eq3A_257, %jit3A_258, %jit3A_256 : i32
        %rem3A_260 = arith.remsi %scan3A_238, %select_n3A_259 : i32
        %ne3A_261 = arith.constant 0 : i32
        %ne3A_262 = arith.cmpi ne, %rem3A_260, %ne3A_261 : i32
        %lt3A_263 = arith.constant 0 : i32
        %lt3A_264 = arith.cmpi slt, %rem3A_260, %lt3A_263 : i32
        %lt3A_265 = arith.constant 0 : i32
        %lt3A_266 = arith.cmpi slt, %select_n3A_259, %lt3A_265 : i32
        %ne3A_267 = arith.xori %lt3A_264, %lt3A_266 : i1
        %and3A_268 = arith.andi %ne3A_267, %ne3A_262 : i1
        %add3A_269 = arith.addi %rem3A_260, %select_n3A_259 : i32
        %select_n3A_270 = arith.select %and3A_268, %add3A_269, %rem3A_260 : i32
        %mul3A_271 = arith.constant 128 : i32
        %mul3A_272 = arith.muli %select_n3A_270, %mul3A_271 : i32
        %add3A_273 = arith.constant 0 : i32
        %add3A_274 = arith.addi %mul3A_272, %add3A_273 : i32
        %get3A_275 = arith.index_cast %select_n3A : i32 to index
        %get3A_276 = arith.index_cast %add3A_274 : i32 to index
        %get3A_277 = tpu.vector_load %arg8[%get3A_275, %get3A_276] {strides = array<i32>} : memref<8x1024xf32, #tpu.memory_space<vmem>>, vector<1x16xf32>,
        %get3A_278 = vector.shape_cast %get3A_277 : vector<1x16xf32> to vector<16xf32>
        %mul3A_279 = arith.mulf %get3A_4, %get3A_278 : vector<16xf32>
        %get3A_280 = arith.index_cast %select_n3A : i32 to index
        %get3A_281 = arith.index_cast %add3A_274 : i32 to index
        %get3A_282 = tpu.vector_load %arg12[%get3A_280, %get3A_281] {strides = array<i32>} : memref<8x1024xf32, #tpu.memory_space<vmem>>, vector<1x16xf32>,
        %get3A_283 = vector.shape_cast %get3A_282 : vector<1x16xf32> to vector<16xf32>
        %mul3A_284 = arith.mulf %sub3A_6, %get3A_283 : vector<16xf32>
        %add3A_285 = arith.addf %mul3A_279, %mul3A_284 : vector<16xf32>
        %swap3A = arith.index_cast %select_n3A : i32 to index
        %swap3A_286 = arith.index_cast %add3A_274 : i32 to index
        %swap3A_287 = tpu.vector_load %arg16[%swap3A, %swap3A_286] {strides = array<i32>} : memref<8x1024xf32, #tpu.memory_space<vmem>>, vector<1x16xf32>,
        %swap3A_288 = vector.shape_cast %swap3A_287 : vector<1x16xf32> to vector<16xf32>
        %swap3A_289 = vector.shape_cast %add3A_285 : vector<16xf32> to vector<1x16xf32>
        tpu.vector_store %arg16[%swap3A, %swap3A_286], %swap3A_289 {strides = array<i32>} : memref<8x1024xf32, #tpu.memory_space<vmem>>, vector<1x16xf32>,
        %add3A_290 = arith.constant 16 : i32
        %add3A_291 = arith.addi %mul3A_272, %add3A_290 : i32
        %get3A_292 = arith.index_cast %select_n3A : i32 to index
        %get3A_293 = arith.index_cast %add3A_291 : i32 to index
        %get3A_294 = tpu.vector_load %arg8[%get3A_292, %get3A_293] {strides = array<i32>} : memref<8x1024xf32, #tpu.memory_space<vmem>>, vector<1x16xf32>,
        %get3A_295 = vector.shape_cast %get3A_294 : vector<1x16xf32> to vector<16xf32>
        %mul3A_296 = arith.mulf %get3A_4, %get3A_295 : vector<16xf32>
        %get3A_297 = arith.index_cast %select_n3A : i32 to index
        %get3A_298 = arith.index_cast %add3A_291 : i32 to index
        %get3A_299 = tpu.vector_load %arg12[%get3A_297, %get3A_298] {strides = array<i32>} : memref<8x1024xf32, #tpu.memory_space<vmem>>, vector<1x16xf32>,
        %get3A_300 = vector.shape_cast %get3A_299 : vector<1x16xf32> to vector<16xf32>
        %mul3A_301 = arith.mulf %sub3A_6, %get3A_300 : vector<16xf32>
        %add3A_302 = arith.addf %mul3A_296, %mul3A_301 : vector<16xf32>
        %swap3A_303 = arith.index_cast %select_n3A : i32 to index
        %swap3A_304 = arith.index_cast %add3A_291 : i32 to index
        %swap3A_305 = tpu.vector_load %arg16[%swap3A_303, %swap3A_304] {strides = array<i32>} : memref<8x1024xf32, #tpu.memory_space<vmem>>, vector<1x16xf32>,
        %swap3A_306 = vector.shape_cast %swap3A_305 : vector<1x16xf32> to vector<16xf32>
        %swap3A_307 = vector.shape_cast %add3A_302 : vector<16xf32> to vector<1x16xf32>
        tpu.vector_store %arg16[%swap3A_303, %swap3A_304], %swap3A_307 {strides = array<i32>} : memref<8x1024xf32, #tpu.memory_space<vmem>>, vector<1x16xf32>,
        %add3A_308 = arith.constant 32 : i32
        %add3A_309 = arith.addi %mul3A_272, %add3A_308 : i32
        %get3A_310 = arith.index_cast %select_n3A : i32 to index
        %get3A_311 = arith.index_cast %add3A_309 : i32 to index
        %get3A_312 = tpu.vector_load %arg8[%get3A_310, %get3A_311] {strides = array<i32>} : memref<8x1024xf32, #tpu.memory_space<vmem>>, vector<1x16xf32>,
        %get3A_313 = vector.shape_cast %get3A_312 : vector<1x16xf32> to vector<16xf32>
        %mul3A_314 = arith.mulf %get3A_4, %get3A_313 : vector<16xf32>
        %get3A_315 = arith.index_cast %select_n3A : i32 to index
        %get3A_316 = arith.index_cast %add3A_309 : i32 to index
        %get3A_317 = tpu.vector_load %arg12[%get3A_315, %get3A_316] {strides = array<i32>} : memref<8x1024xf32, #tpu.memory_space<vmem>>, vector<1x16xf32>,
        %get3A_318 = vector.shape_cast %get3A_317 : vector<1x16xf32> to vector<16xf32>
        %mul3A_319 = arith.mulf %sub3A_6, %get3A_318 : vector<16xf32>
        %add3A_320 = arith.addf %mul3A_314, %mul3A_319 : vector<16xf32>
        %swap3A_321 = arith.index_cast %select_n3A : i32 to index
        %swap3A_322 = arith.index_cast %add3A_309 : i32 to index
        %swap3A_323 = tpu.vector_load %arg16[%swap3A_321, %swap3A_322] {strides = array<i32>} : memref<8x1024xf32, #tpu.memory_space<vmem>>, vector<1x16xf32>,
        %swap3A_324 = vector.shape_cast %swap3A_323 : vector<1x16xf32> to vector<16xf32>
        %swap3A_325 = vector.shape_cast %add3A_320 : vector<16xf32> to vector<1x16xf32>
        tpu.vector_store %arg16[%swap3A_321, %swap3A_322], %swap3A_325 {strides = array<i32>} : memref<8x1024xf32, #tpu.memory_space<vmem>>, vector<1x16xf32>,
        %add3A_326 = arith.constant 48 : i32
        %add3A_327 = arith.addi %mul3A_272, %add3A_326 : i32
        %get3A_328 = arith.index_cast %select_n3A : i32 to index
        %get3A_329 = arith.index_cast %add3A_327 : i32 to index
        %get3A_330 = tpu.vector_load %arg8[%get3A_328, %get3A_329] {strides = array<i32>} : memref<8x1024xf32, #tpu.memory_space<vmem>>, vector<1x16xf32>,
        %get3A_331 = vector.shape_cast %get3A_330 : vector<1x16xf32> to vector<16xf32>
        %mul3A_332 = arith.mulf %get3A_4, %get3A_331 : vector<16xf32>
        %get3A_333 = arith.index_cast %select_n3A : i32 to index
        %get3A_334 = arith.index_cast %add3A_327 : i32 to index
        %get3A_335 = tpu.vector_load %arg12[%get3A_333, %get3A_334] {strides = array<i32>} : memref<8x1024xf32, #tpu.memory_space<vmem>>, vector<1x16xf32>,
        %get3A_336 = vector.shape_cast %get3A_335 : vector<1x16xf32> to vector<16xf32>
        %mul3A_337 = arith.mulf %sub3A_6, %get3A_336 : vector<16xf32>
        %add3A_338 = arith.addf %mul3A_332, %mul3A_337 : vector<16xf32>
        %swap3A_339 = arith.index_cast %select_n3A : i32 to index
        %swap3A_340 = arith.index_cast %add3A_327 : i32 to index
        %swap3A_341 = tpu.vector_load %arg16[%swap3A_339, %swap3A_340] {strides = array<i32>} : memref<8x1024xf32, #tpu.memory_space<vmem>>, vector<1x16xf32>,
        %swap3A_342 = vector.shape_cast %swap3A_341 : vector<1x16xf32> to vector<16xf32>
        %swap3A_343 = vector.shape_cast %add3A_338 : vector<16xf32> to vector<1x16xf32>
        tpu.vector_store %arg16[%swap3A_339, %swap3A_340], %swap3A_343 {strides = array<i32>} : memref<8x1024xf32, #tpu.memory_space<vmem>>, vector<1x16xf32>,
        %add3A_344 = arith.constant 64 : i32
        %add3A_345 = arith.addi %mul3A_272, %add3A_344 : i32
        %get3A_346 = arith.index_cast %select_n3A : i32 to index
        %get3A_347 = arith.index_cast %add3A_345 : i32 to index
        %get3A_348 = tpu.vector_load %arg8[%get3A_346, %get3A_347] {strides = array<i32>} : memref<8x1024xf32, #tpu.memory_space<vmem>>, vector<1x16xf32>,
        %get3A_349 = vector.shape_cast %get3A_348 : vector<1x16xf32> to vector<16xf32>
        %mul3A_350 = arith.mulf %get3A_4, %get3A_349 : vector<16xf32>
        %get3A_351 = arith.index_cast %select_n3A : i32 to index
        %get3A_352 = arith.index_cast %add3A_345 : i32 to index
        %get3A_353 = tpu.vector_load %arg12[%get3A_351, %get3A_352] {strides = array<i32>} : memref<8x1024xf32, #tpu.memory_space<vmem>>, vector<1x16xf32>,
        %get3A_354 = vector.shape_cast %get3A_353 : vector<1x16xf32> to vector<16xf32>
        %mul3A_355 = arith.mulf %sub3A_6, %get3A_354 : vector<16xf32>
        %add3A_356 = arith.addf %mul3A_350, %mul3A_355 : vector<16xf32>
        %swap3A_357 = arith.index_cast %select_n3A : i32 to index
        %swap3A_358 = arith.index_cast %add3A_345 : i32 to index
        %swap3A_359 = tpu.vector_load %arg16[%swap3A_357, %swap3A_358] {strides = array<i32>} : memref<8x1024xf32, #tpu.memory_space<vmem>>, vector<1x16xf32>,
        %swap3A_360 = vector.shape_cast %swap3A_359 : vector<1x16xf32> to vector<16xf32>
        %swap3A_361 = vector.shape_cast %add3A_356 : vector<16xf32> to vector<1x16xf32>
        tpu.vector_store %arg16[%swap3A_357, %swap3A_358], %swap3A_361 {strides = array<i32>} : memref<8x1024xf32, #tpu.memory_space<vmem>>, vector<1x16xf32>,
        %add3A_362 = arith.constant 80 : i32
        %add3A_363 = arith.addi %mul3A_272, %add3A_362 : i32
        %get3A_364 = arith.index_cast %select_n3A : i32 to index
        %get3A_365 = arith.index_cast %add3A_363 : i32 to index
        %get3A_366 = tpu.vector_load %arg8[%get3A_364, %get3A_365] {strides = array<i32>} : memref<8x1024xf32, #tpu.memory_space<vmem>>, vector<1x16xf32>,
        %get3A_367 = vector.shape_cast %get3A_366 : vector<1x16xf32> to vector<16xf32>
        %mul3A_368 = arith.mulf %get3A_4, %get3A_367 : vector<16xf32>
        %get3A_369 = arith.index_cast %select_n3A : i32 to index
        %get3A_370 = arith.index_cast %add3A_363 : i32 to index
        %get3A_371 = tpu.vector_load %arg12[%get3A_369, %get3A_370] {strides = array<i32>} : memref<8x1024xf32, #tpu.memory_space<vmem>>, vector<1x16xf32>,
        %get3A_372 = vector.shape_cast %get3A_371 : vector<1x16xf32> to vector<16xf32>
        %mul3A_373 = arith.mulf %sub3A_6, %get3A_372 : vector<16xf32>
        %add3A_374 = arith.addf %mul3A_368, %mul3A_373 : vector<16xf32>
        %swap3A_375 = arith.index_cast %select_n3A : i32 to index
        %swap3A_376 = arith.index_cast %add3A_363 : i32 to index
        %swap3A_377 = tpu.vector_load %arg16[%swap3A_375, %swap3A_376] {strides = array<i32>} : memref<8x1024xf32, #tpu.memory_space<vmem>>, vector<1x16xf32>,
        %swap3A_378 = vector.shape_cast %swap3A_377 : vector<1x16xf32> to vector<16xf32>
        %swap3A_379 = vector.shape_cast %add3A_374 : vector<16xf32> to vector<1x16xf32>
        tpu.vector_store %arg16[%swap3A_375, %swap3A_376], %swap3A_379 {strides = array<i32>} : memref<8x1024xf32, #tpu.memory_space<vmem>>, vector<1x16xf32>,
        %add3A_380 = arith.constant 96 : i32
        %add3A_381 = arith.addi %mul3A_272, %add3A_380 : i32
        %get3A_382 = arith.index_cast %select_n3A : i32 to index
        %get3A_383 = arith.index_cast %add3A_381 : i32 to index
        %get3A_384 = tpu.vector_load %arg8[%get3A_382, %get3A_383] {strides = array<i32>} : memref<8x1024xf32, #tpu.memory_space<vmem>>, vector<1x16xf32>,
        %get3A_385 = vector.shape_cast %get3A_384 : vector<1x16xf32> to vector<16xf32>
        %mul3A_386 = arith.mulf %get3A_4, %get3A_385 : vector<16xf32>
        %get3A_387 = arith.index_cast %select_n3A : i32 to index
        %get3A_388 = arith.index_cast %add3A_381 : i32 to index
        %get3A_389 = tpu.vector_load %arg12[%get3A_387, %get3A_388] {strides = array<i32>} : memref<8x1024xf32, #tpu.memory_space<vmem>>, vector<1x16xf32>,
        %get3A_390 = vector.shape_cast %get3A_389 : vector<1x16xf32> to vector<16xf32>
        %mul3A_391 = arith.mulf %sub3A_6, %get3A_390 : vector<16xf32>
        %add3A_392 = arith.addf %mul3A_386, %mul3A_391 : vector<16xf32>
        %swap3A_393 = arith.index_cast %select_n3A : i32 to index
        %swap3A_394 = arith.index_cast %add3A_381 : i32 to index
        %swap3A_395 = tpu.vector_load %arg16[%swap3A_393, %swap3A_394] {strides = array<i32>} : memref<8x1024xf32, #tpu.memory_space<vmem>>, vector<1x16xf32>,
        %swap3A_396 = vector.shape_cast %swap3A_395 : vector<1x16xf32> to vector<16xf32>
        %swap3A_397 = vector.shape_cast %add3A_392 : vector<16xf32> to vector<1x16xf32>
        tpu.vector_store %arg16[%swap3A_393, %swap3A_394], %swap3A_397 {strides = array<i32>} : memref<8x1024xf32, #tpu.memory_space<vmem>>, vector<1x16xf32>,
        %add3A_398 = arith.constant 112 : i32
        %add3A_399 = arith.addi %mul3A_272, %add3A_398 : i32
        %get3A_400 = arith.index_cast %select_n3A : i32 to index
        %get3A_401 = arith.index_cast %add3A_399 : i32 to index
        %get3A_402 = tpu.vector_load %arg8[%get3A_400, %get3A_401] {strides = array<i32>} : memref<8x1024xf32, #tpu.memory_space<vmem>>, vector<1x16xf32>,
        %get3A_403 = vector.shape_cast %get3A_402 : vector<1x16xf32> to vector<16xf32>
        %mul3A_404 = arith.mulf %get3A_4, %get3A_403 : vector<16xf32>
        %get3A_405 = arith.index_cast %select_n3A : i32 to index
        %get3A_406 = arith.index_cast %add3A_399 : i32 to index
        %get3A_407 = tpu.vector_load %arg12[%get3A_405, %get3A_406] {strides = array<i32>} : memref<8x1024xf32, #tpu.memory_space<vmem>>, vector<1x16xf32>,
        %get3A_408 = vector.shape_cast %get3A_407 : vector<1x16xf32> to vector<16xf32>
        %mul3A_409 = arith.mulf %sub3A_6, %get3A_408 : vector<16xf32>
        %add3A_410 = arith.addf %mul3A_404, %mul3A_409 : vector<16xf32>
        %swap3A_411 = arith.index_cast %select_n3A : i32 to index
        %swap3A_412 = arith.index_cast %add3A_399 : i32 to index
        %swap3A_413 = tpu.vector_load %arg16[%swap3A_411, %swap3A_412] {strides = array<i32>} : memref<8x1024xf32, #tpu.memory_space<vmem>>, vector<1x16xf32>,
        %swap3A_414 = vector.shape_cast %swap3A_413 : vector<1x16xf32> to vector<16xf32>
        %swap3A_415 = vector.shape_cast %add3A_410 : vector<16xf32> to vector<1x16xf32>
        tpu.vector_store %arg16[%swap3A_411, %swap3A_412], %swap3A_415 {strides = array<i32>} : memref<8x1024xf32, #tpu.memory_space<vmem>>, vector<1x16xf32>,
      }
      %scan3A_144 = arith.constant 64 : i32
      %mul3A_145 = arith.constant 8 : i32
      %mul3A_146 = arith.muli %add3A_112, %mul3A_145 : i32
      %add3A_147 = arith.addi %mul3A_2, %mul3A_146 : i32
      %dma_start3A_148 = arith.constant 0 : i32
      %dma_start3A_149 = tpu.memref_slice %arg5[%add3A_147, %dma_start3A_148] : memref<4096x1024xf32, #tpu.memory_space<hbm>> -> memref<8x1024xf32, #tpu.memory_space<hbm>>
      %dma_start3A_150 = arith.constant 0 : i32
      %dma_start3A_151 = tpu.memref_slice %arg5[%add3A_147, %dma_start3A_150] : memref<4096x1024xf32, #tpu.memory_space<hbm>> -> memref<8x1024xf32, #tpu.memory_space<hbm>>
      tpu.enqueue_dma source(%arg16 : memref<8x1024xf32, #tpu.memory_space<vmem>>) target(%dma_start3A_151 : memref<8x1024xf32, #tpu.memory_space<hbm>>) target_semaphore(%arg24 : memref<!tpu.dma_semaphore, #tpu.memory_space<semaphore_mem>>)
      %mul3A_152 = arith.constant 4 : i32
      %mul3A_153 = arith.muli %scan3A_69, %mul3A_152 : i32
      %add3A_154 = arith.constant 2 : i32
      %add3A_155 = arith.addi %mul3A_153, %add3A_154 : i32
      %add3A_156 = arith.constant 4 : i32
      %add3A_157 = arith.addi %add3A_155, %add3A_156 : i32
      %sub3A_158 = arith.constant 1 : i32
      %sub3A_159 = arith.subi %add3A_157, %sub3A_158 : i32
      %mul3A_160 = arith.constant 8 : i32
      %mul3A_161 = arith.muli %add3A_155, %mul3A_160 : i32
      %add3A_162 = arith.addi %mul3A_2, %mul3A_161 : i32
      %add3A_163 = arith.constant 4096 : i32
      %add3A_164 = arith.addi %add3A_163, %add3A_162 : i32
      %dma_wait3A_165 = arith.constant 0 : i32
      %dma_wait3A_166 = tpu.memref_slice %arg2[%add3A_162, %dma_wait3A_165] : memref<8192x1024xf32, #tpu.memory_space<hbm>> -> memref<8x1024xf32, #tpu.memory_space<hbm>>
      %dma_wait3A_167 = arith.constant 0 : i32
      %dma_wait3A_168 = tpu.memref_slice %arg2[%add3A_162, %dma_wait3A_167] : memref<8192x1024xf32, #tpu.memory_space<hbm>> -> memref<8x1024xf32, #tpu.memory_space<hbm>>
      tpu.wait_dma2 semaphore(%arg21 : memref<!tpu.dma_semaphore, #tpu.memory_space<semaphore_mem>>) src(%dma_wait3A_168 : memref<8x1024xf32, #tpu.memory_space<hbm>>) dst(%arg9 : memref<8x1024xf32, #tpu.memory_space<vmem>>)
      %dma_wait3A_169 = arith.constant 0 : i32
      %dma_wait3A_170 = tpu.memref_slice %arg3[%add3A_164, %dma_wait3A_169] : memref<16383x1024xf32, #tpu.memory_space<hbm>> -> memref<8x1024xf32, #tpu.memory_space<hbm>>
      %dma_wait3A_171 = arith.constant 0 : i32
      %dma_wait3A_172 = tpu.memref_slice %arg3[%add3A_164, %dma_wait3A_171] : memref<16383x1024xf32, #tpu.memory_space<hbm>> -> memref<8x1024xf32, #tpu.memory_space<hbm>>
      tpu.wait_dma2 semaphore(%arg21 : memref<!tpu.dma_semaphore, #tpu.memory_space<semaphore_mem>>) src(%dma_wait3A_172 : memref<8x1024xf32, #tpu.memory_space<hbm>>) dst(%arg13 : memref<8x1024xf32, #tpu.memory_space<vmem>>)
      %ge3A_173 = arith.constant 4 : i32
      %ge3A_174 = arith.cmpi sge, %add3A_155, %ge3A_173 : i32
      %convert_element_type3A_175 = arith.extui %ge3A_174 : i1 to i32
      %cond3A_176 = arith.constant 0 : i32
      %cond3A_177 = arith.cmpi ne, %convert_element_type3A_175, %cond3A_176 : i32
      scf.if %cond3A_177 {
        %sub3A_238 = arith.constant 4 : i32
        %sub3A_239 = arith.subi %add3A_155, %sub3A_238 : i32
        %mul3A_240 = arith.constant 8 : i32
        %mul3A_241 = arith.muli %sub3A_239, %mul3A_240 : i32
        %add3A_242 = arith.addi %mul3A_2, %mul3A_241 : i32
        %dma_wait3A_243 = arith.constant 0 : i32
        %dma_wait3A_244 = tpu.memref_slice %arg5[%add3A_242, %dma_wait3A_243] : memref<4096x1024xf32, #tpu.memory_space<hbm>> -> memref<8x1024xf32, #tpu.memory_space<hbm>>
        %dma_wait3A_245 = arith.constant 0 : i32
        %dma_wait3A_246 = tpu.memref_slice %arg5[%add3A_242, %dma_wait3A_245] : memref<4096x1024xf32, #tpu.memory_space<hbm>> -> memref<8x1024xf32, #tpu.memory_space<hbm>>
        tpu.wait_dma2 semaphore(%arg25 : memref<!tpu.dma_semaphore, #tpu.memory_space<semaphore_mem>>) src(%arg17 : memref<8x1024xf32, #tpu.memory_space<vmem>>) dst(%dma_wait3A_246 : memref<8x1024xf32, #tpu.memory_space<hbm>>)
      } else {
      }
      %lt3A_178 = arith.constant 16 : i32
      %lt3A_179 = arith.cmpi slt, %sub3A_159, %lt3A_178 : i32
      %convert_element_type3A_180 = arith.extui %lt3A_179 : i1 to i32
      %cond3A_181 = arith.constant 0 : i32
      %cond3A_182 = arith.cmpi ne, %convert_element_type3A_180, %cond3A_181 : i32
      scf.if %cond3A_182 {
        %mul3A_238 = arith.constant 8 : i32
        %mul3A_239 = arith.muli %sub3A_159, %mul3A_238 : i32
        %add3A_240 = arith.addi %mul3A_2, %mul3A_239 : i32
        %add3A_241 = arith.constant 4096 : i32
        %add3A_242 = arith.addi %add3A_241, %add3A_240 : i32
        %dma_start3A_243 = arith.constant 0 : i32
        %dma_start3A_244 = tpu.memref_slice %arg2[%add3A_240, %dma_start3A_243] : memref<8192x1024xf32, #tpu.memory_space<hbm>> -> memref<8x1024xf32, #tpu.memory_space<hbm>>
        %dma_start3A_245 = arith.constant 0 : i32
        %dma_start3A_246 = tpu.memref_slice %arg2[%add3A_240, %dma_start3A_245] : memref<8192x1024xf32, #tpu.memory_space<hbm>> -> memref<8x1024xf32, #tpu.memory_space<hbm>>
        tpu.enqueue_dma source(%dma_start3A_246 : memref<8x1024xf32, #tpu.memory_space<hbm>>) target(%arg8 : memref<8x1024xf32, #tpu.memory_space<vmem>>) target_semaphore(%arg20 : memref<!tpu.dma_semaphore, #tpu.memory_space<semaphore_mem>>)
        %dma_start3A_247 = arith.constant 0 : i32
        %dma_start3A_248 = tpu.memref_slice %arg3[%add3A_242, %dma_start3A_247] : memref<16383x1024xf32, #tpu.memory_space<hbm>> -> memref<8x1024xf32, #tpu.memory_space<hbm>>
        %dma_start3A_249 = arith.constant 0 : i32
        %dma_start3A_250 = tpu.memref_slice %arg3[%add3A_242, %dma_start3A_249] : memref<16383x1024xf32, #tpu.memory_space<hbm>> -> memref<8x1024xf32, #tpu.memory_space<hbm>>
        tpu.enqueue_dma source(%dma_start3A_250 : memref<8x1024xf32, #tpu.memory_space<hbm>>) target(%arg12 : memref<8x1024xf32, #tpu.memory_space<vmem>>) target_semaphore(%arg20 : memref<!tpu.dma_semaphore, #tpu.memory_space<semaphore_mem>>)
      } else {
      }
      %scan3A_183 = arith.constant 0 : i32
      %scan3A_184 = arith.constant 64 : i32
      %scan3A_185 = arith.addi %scan3A_183, %scan3A_184 : i32
      %scan3A_186 = arith.constant 1 : i32
      scf.for %scan3A_238 = %scan3A_183 to %scan3A_185 step %scan3A_186  : i32 {
        %jit3A = arith.constant 8 : i32
        %div3A = arith.divsi %scan3A_238, %jit3A : i32
        %sign3A = arith.constant 0 : i32
        %sign3A_239 = arith.cmpi sgt, %scan3A_238, %sign3A : i32
        %sign3A_240 = arith.extui %sign3A_239 : i1 to i32
        %sign3A_241 = arith.constant 0 : i32
        %sign3A_242 = arith.cmpi slt, %scan3A_238, %sign3A_241 : i32
        %sign3A_243 = arith.extui %sign3A_242 : i1 to i32
        %sign3A_244 = arith.subi %sign3A_240, %sign3A_243 : i32
        %sign3A_245 = arith.constant 0 : i32
        %sign3A_246 = arith.cmpi sgt, %jit3A, %sign3A_245 : i32
        %sign3A_247 = arith.extui %sign3A_246 : i1 to i32
        %sign3A_248 = arith.constant 0 : i32
        %sign3A_249 = arith.cmpi slt, %jit3A, %sign3A_248 : i32
        %sign3A_250 = arith.extui %sign3A_249 : i1 to i32
        %sign3A_251 = arith.subi %sign3A_247, %sign3A_250 : i32
        %ne3A = arith.cmpi ne, %sign3A_244, %sign3A_251 : i32
        %rem3A = arith.remsi %scan3A_238, %jit3A : i32
        %ne3A_252 = arith.constant 0 : i32
        %ne3A_253 = arith.cmpi ne, %rem3A, %ne3A_252 : i32
        %and3A = arith.andi %ne3A, %ne3A_253 : i1
        %sub3A_254 = arith.constant 1 : i32
        %sub3A_255 = arith.subi %div3A, %sub3A_254 : i32
        %select_n3A = arith.select %and3A, %sub3A_255, %div3A : i32
        %jit3A_256 = arith.constant 8 : i32
        %eq3A = arith.constant 0 : i32
        %eq3A_257 = arith.cmpi eq, %jit3A_256, %eq3A : i32
        %jit3A_258 = arith.constant 1 : i32
        %select_n3A_259 = arith.select %eq3A_257, %jit3A_258, %jit3A_256 : i32
        %rem3A_260 = arith.remsi %scan3A_238, %select_n3A_259 : i32
        %ne3A_261 = arith.constant 0 : i32
        %ne3A_262 = arith.cmpi ne, %rem3A_260, %ne3A_261 : i32
        %lt3A_263 = arith.constant 0 : i32
        %lt3A_264 = arith.cmpi slt, %rem3A_260, %lt3A_263 : i32
        %lt3A_265 = arith.constant 0 : i32
        %lt3A_266 = arith.cmpi slt, %select_n3A_259, %lt3A_265 : i32
        %ne3A_267 = arith.xori %lt3A_264, %lt3A_266 : i1
        %and3A_268 = arith.andi %ne3A_267, %ne3A_262 : i1
        %add3A_269 = arith.addi %rem3A_260, %select_n3A_259 : i32
        %select_n3A_270 = arith.select %and3A_268, %add3A_269, %rem3A_260 : i32
        %mul3A_271 = arith.constant 128 : i32
        %mul3A_272 = arith.muli %select_n3A_270, %mul3A_271 : i32
        %add3A_273 = arith.constant 0 : i32
        %add3A_274 = arith.addi %mul3A_272, %add3A_273 : i32
        %get3A_275 = arith.index_cast %select_n3A : i32 to index
        %get3A_276 = arith.index_cast %add3A_274 : i32 to index
        %get3A_277 = tpu.vector_load %arg9[%get3A_275, %get3A_276] {strides = array<i32>} : memref<8x1024xf32, #tpu.memory_space<vmem>>, vector<1x16xf32>,
        %get3A_278 = vector.shape_cast %get3A_277 : vector<1x16xf32> to vector<16xf32>
        %mul3A_279 = arith.mulf %get3A_4, %get3A_278 : vector<16xf32>
        %get3A_280 = arith.index_cast %select_n3A : i32 to index
        %get3A_281 = arith.index_cast %add3A_274 : i32 to index
        %get3A_282 = tpu.vector_load %arg13[%get3A_280, %get3A_281] {strides = array<i32>} : memref<8x1024xf32, #tpu.memory_space<vmem>>, vector<1x16xf32>,
        %get3A_283 = vector.shape_cast %get3A_282 : vector<1x16xf32> to vector<16xf32>
        %mul3A_284 = arith.mulf %sub3A_6, %get3A_283 : vector<16xf32>
        %add3A_285 = arith.addf %mul3A_279, %mul3A_284 : vector<16xf32>
        %swap3A = arith.index_cast %select_n3A : i32 to index
        %swap3A_286 = arith.index_cast %add3A_274 : i32 to index
        %swap3A_287 = tpu.vector_load %arg17[%swap3A, %swap3A_286] {strides = array<i32>} : memref<8x1024xf32, #tpu.memory_space<vmem>>, vector<1x16xf32>,
        %swap3A_288 = vector.shape_cast %swap3A_287 : vector<1x16xf32> to vector<16xf32>
        %swap3A_289 = vector.shape_cast %add3A_285 : vector<16xf32> to vector<1x16xf32>
        tpu.vector_store %arg17[%swap3A, %swap3A_286], %swap3A_289 {strides = array<i32>} : memref<8x1024xf32, #tpu.memory_space<vmem>>, vector<1x16xf32>,
        %add3A_290 = arith.constant 16 : i32
        %add3A_291 = arith.addi %mul3A_272, %add3A_290 : i32
        %get3A_292 = arith.index_cast %select_n3A : i32 to index
        %get3A_293 = arith.index_cast %add3A_291 : i32 to index
        %get3A_294 = tpu.vector_load %arg9[%get3A_292, %get3A_293] {strides = array<i32>} : memref<8x1024xf32, #tpu.memory_space<vmem>>, vector<1x16xf32>,
        %get3A_295 = vector.shape_cast %get3A_294 : vector<1x16xf32> to vector<16xf32>
        %mul3A_296 = arith.mulf %get3A_4, %get3A_295 : vector<16xf32>
        %get3A_297 = arith.index_cast %select_n3A : i32 to index
        %get3A_298 = arith.index_cast %add3A_291 : i32 to index
        %get3A_299 = tpu.vector_load %arg13[%get3A_297, %get3A_298] {strides = array<i32>} : memref<8x1024xf32, #tpu.memory_space<vmem>>, vector<1x16xf32>,
        %get3A_300 = vector.shape_cast %get3A_299 : vector<1x16xf32> to vector<16xf32>
        %mul3A_301 = arith.mulf %sub3A_6, %get3A_300 : vector<16xf32>
        %add3A_302 = arith.addf %mul3A_296, %mul3A_301 : vector<16xf32>
        %swap3A_303 = arith.index_cast %select_n3A : i32 to index
        %swap3A_304 = arith.index_cast %add3A_291 : i32 to index
        %swap3A_305 = tpu.vector_load %arg17[%swap3A_303, %swap3A_304] {strides = array<i32>} : memref<8x1024xf32, #tpu.memory_space<vmem>>, vector<1x16xf32>,
        %swap3A_306 = vector.shape_cast %swap3A_305 : vector<1x16xf32> to vector<16xf32>
        %swap3A_307 = vector.shape_cast %add3A_302 : vector<16xf32> to vector<1x16xf32>
        tpu.vector_store %arg17[%swap3A_303, %swap3A_304], %swap3A_307 {strides = array<i32>} : memref<8x1024xf32, #tpu.memory_space<vmem>>, vector<1x16xf32>,
        %add3A_308 = arith.constant 32 : i32
        %add3A_309 = arith.addi %mul3A_272, %add3A_308 : i32
        %get3A_310 = arith.index_cast %select_n3A : i32 to index
        %get3A_311 = arith.index_cast %add3A_309 : i32 to index
        %get3A_312 = tpu.vector_load %arg9[%get3A_310, %get3A_311] {strides = array<i32>} : memref<8x1024xf32, #tpu.memory_space<vmem>>, vector<1x16xf32>,
        %get3A_313 = vector.shape_cast %get3A_312 : vector<1x16xf32> to vector<16xf32>
        %mul3A_314 = arith.mulf %get3A_4, %get3A_313 : vector<16xf32>
        %get3A_315 = arith.index_cast %select_n3A : i32 to index
        %get3A_316 = arith.index_cast %add3A_309 : i32 to index
        %get3A_317 = tpu.vector_load %arg13[%get3A_315, %get3A_316] {strides = array<i32>} : memref<8x1024xf32, #tpu.memory_space<vmem>>, vector<1x16xf32>,
        %get3A_318 = vector.shape_cast %get3A_317 : vector<1x16xf32> to vector<16xf32>
        %mul3A_319 = arith.mulf %sub3A_6, %get3A_318 : vector<16xf32>
        %add3A_320 = arith.addf %mul3A_314, %mul3A_319 : vector<16xf32>
        %swap3A_321 = arith.index_cast %select_n3A : i32 to index
        %swap3A_322 = arith.index_cast %add3A_309 : i32 to index
        %swap3A_323 = tpu.vector_load %arg17[%swap3A_321, %swap3A_322] {strides = array<i32>} : memref<8x1024xf32, #tpu.memory_space<vmem>>, vector<1x16xf32>,
        %swap3A_324 = vector.shape_cast %swap3A_323 : vector<1x16xf32> to vector<16xf32>
        %swap3A_325 = vector.shape_cast %add3A_320 : vector<16xf32> to vector<1x16xf32>
        tpu.vector_store %arg17[%swap3A_321, %swap3A_322], %swap3A_325 {strides = array<i32>} : memref<8x1024xf32, #tpu.memory_space<vmem>>, vector<1x16xf32>,
        %add3A_326 = arith.constant 48 : i32
        %add3A_327 = arith.addi %mul3A_272, %add3A_326 : i32
        %get3A_328 = arith.index_cast %select_n3A : i32 to index
        %get3A_329 = arith.index_cast %add3A_327 : i32 to index
        %get3A_330 = tpu.vector_load %arg9[%get3A_328, %get3A_329] {strides = array<i32>} : memref<8x1024xf32, #tpu.memory_space<vmem>>, vector<1x16xf32>,
        %get3A_331 = vector.shape_cast %get3A_330 : vector<1x16xf32> to vector<16xf32>
        %mul3A_332 = arith.mulf %get3A_4, %get3A_331 : vector<16xf32>
        %get3A_333 = arith.index_cast %select_n3A : i32 to index
        %get3A_334 = arith.index_cast %add3A_327 : i32 to index
        %get3A_335 = tpu.vector_load %arg13[%get3A_333, %get3A_334] {strides = array<i32>} : memref<8x1024xf32, #tpu.memory_space<vmem>>, vector<1x16xf32>,
        %get3A_336 = vector.shape_cast %get3A_335 : vector<1x16xf32> to vector<16xf32>
        %mul3A_337 = arith.mulf %sub3A_6, %get3A_336 : vector<16xf32>
        %add3A_338 = arith.addf %mul3A_332, %mul3A_337 : vector<16xf32>
        %swap3A_339 = arith.index_cast %select_n3A : i32 to index
        %swap3A_340 = arith.index_cast %add3A_327 : i32 to index
        %swap3A_341 = tpu.vector_load %arg17[%swap3A_339, %swap3A_340] {strides = array<i32>} : memref<8x1024xf32, #tpu.memory_space<vmem>>, vector<1x16xf32>,
        %swap3A_342 = vector.shape_cast %swap3A_341 : vector<1x16xf32> to vector<16xf32>
        %swap3A_343 = vector.shape_cast %add3A_338 : vector<16xf32> to vector<1x16xf32>
        tpu.vector_store %arg17[%swap3A_339, %swap3A_340], %swap3A_343 {strides = array<i32>} : memref<8x1024xf32, #tpu.memory_space<vmem>>, vector<1x16xf32>,
        %add3A_344 = arith.constant 64 : i32
        %add3A_345 = arith.addi %mul3A_272, %add3A_344 : i32
        %get3A_346 = arith.index_cast %select_n3A : i32 to index
        %get3A_347 = arith.index_cast %add3A_345 : i32 to index
        %get3A_348 = tpu.vector_load %arg9[%get3A_346, %get3A_347] {strides = array<i32>} : memref<8x1024xf32, #tpu.memory_space<vmem>>, vector<1x16xf32>,
        %get3A_349 = vector.shape_cast %get3A_348 : vector<1x16xf32> to vector<16xf32>
        %mul3A_350 = arith.mulf %get3A_4, %get3A_349 : vector<16xf32>
        %get3A_351 = arith.index_cast %select_n3A : i32 to index
        %get3A_352 = arith.index_cast %add3A_345 : i32 to index
        %get3A_353 = tpu.vector_load %arg13[%get3A_351, %get3A_352] {strides = array<i32>} : memref<8x1024xf32, #tpu.memory_space<vmem>>, vector<1x16xf32>,
        %get3A_354 = vector.shape_cast %get3A_353 : vector<1x16xf32> to vector<16xf32>
        %mul3A_355 = arith.mulf %sub3A_6, %get3A_354 : vector<16xf32>
        %add3A_356 = arith.addf %mul3A_350, %mul3A_355 : vector<16xf32>
        %swap3A_357 = arith.index_cast %select_n3A : i32 to index
        %swap3A_358 = arith.index_cast %add3A_345 : i32 to index
        %swap3A_359 = tpu.vector_load %arg17[%swap3A_357, %swap3A_358] {strides = array<i32>} : memref<8x1024xf32, #tpu.memory_space<vmem>>, vector<1x16xf32>,
        %swap3A_360 = vector.shape_cast %swap3A_359 : vector<1x16xf32> to vector<16xf32>
        %swap3A_361 = vector.shape_cast %add3A_356 : vector<16xf32> to vector<1x16xf32>
        tpu.vector_store %arg17[%swap3A_357, %swap3A_358], %swap3A_361 {strides = array<i32>} : memref<8x1024xf32, #tpu.memory_space<vmem>>, vector<1x16xf32>,
        %add3A_362 = arith.constant 80 : i32
        %add3A_363 = arith.addi %mul3A_272, %add3A_362 : i32
        %get3A_364 = arith.index_cast %select_n3A : i32 to index
        %get3A_365 = arith.index_cast %add3A_363 : i32 to index
        %get3A_366 = tpu.vector_load %arg9[%get3A_364, %get3A_365] {strides = array<i32>} : memref<8x1024xf32, #tpu.memory_space<vmem>>, vector<1x16xf32>,
        %get3A_367 = vector.shape_cast %get3A_366 : vector<1x16xf32> to vector<16xf32>
        %mul3A_368 = arith.mulf %get3A_4, %get3A_367 : vector<16xf32>
        %get3A_369 = arith.index_cast %select_n3A : i32 to index
        %get3A_370 = arith.index_cast %add3A_363 : i32 to index
        %get3A_371 = tpu.vector_load %arg13[%get3A_369, %get3A_370] {strides = array<i32>} : memref<8x1024xf32, #tpu.memory_space<vmem>>, vector<1x16xf32>,
        %get3A_372 = vector.shape_cast %get3A_371 : vector<1x16xf32> to vector<16xf32>
        %mul3A_373 = arith.mulf %sub3A_6, %get3A_372 : vector<16xf32>
        %add3A_374 = arith.addf %mul3A_368, %mul3A_373 : vector<16xf32>
        %swap3A_375 = arith.index_cast %select_n3A : i32 to index
        %swap3A_376 = arith.index_cast %add3A_363 : i32 to index
        %swap3A_377 = tpu.vector_load %arg17[%swap3A_375, %swap3A_376] {strides = array<i32>} : memref<8x1024xf32, #tpu.memory_space<vmem>>, vector<1x16xf32>,
        %swap3A_378 = vector.shape_cast %swap3A_377 : vector<1x16xf32> to vector<16xf32>
        %swap3A_379 = vector.shape_cast %add3A_374 : vector<16xf32> to vector<1x16xf32>
        tpu.vector_store %arg17[%swap3A_375, %swap3A_376], %swap3A_379 {strides = array<i32>} : memref<8x1024xf32, #tpu.memory_space<vmem>>, vector<1x16xf32>,
        %add3A_380 = arith.constant 96 : i32
        %add3A_381 = arith.addi %mul3A_272, %add3A_380 : i32
        %get3A_382 = arith.index_cast %select_n3A : i32 to index
        %get3A_383 = arith.index_cast %add3A_381 : i32 to index
        %get3A_384 = tpu.vector_load %arg9[%get3A_382, %get3A_383] {strides = array<i32>} : memref<8x1024xf32, #tpu.memory_space<vmem>>, vector<1x16xf32>,
        %get3A_385 = vector.shape_cast %get3A_384 : vector<1x16xf32> to vector<16xf32>
        %mul3A_386 = arith.mulf %get3A_4, %get3A_385 : vector<16xf32>
        %get3A_387 = arith.index_cast %select_n3A : i32 to index
        %get3A_388 = arith.index_cast %add3A_381 : i32 to index
        %get3A_389 = tpu.vector_load %arg13[%get3A_387, %get3A_388] {strides = array<i32>} : memref<8x1024xf32, #tpu.memory_space<vmem>>, vector<1x16xf32>,
        %get3A_390 = vector.shape_cast %get3A_389 : vector<1x16xf32> to vector<16xf32>
        %mul3A_391 = arith.mulf %sub3A_6, %get3A_390 : vector<16xf32>
        %add3A_392 = arith.addf %mul3A_386, %mul3A_391 : vector<16xf32>
        %swap3A_393 = arith.index_cast %select_n3A : i32 to index
        %swap3A_394 = arith.index_cast %add3A_381 : i32 to index
        %swap3A_395 = tpu.vector_load %arg17[%swap3A_393, %swap3A_394] {strides = array<i32>} : memref<8x1024xf32, #tpu.memory_space<vmem>>, vector<1x16xf32>,
        %swap3A_396 = vector.shape_cast %swap3A_395 : vector<1x16xf32> to vector<16xf32>
        %swap3A_397 = vector.shape_cast %add3A_392 : vector<16xf32> to vector<1x16xf32>
        tpu.vector_store %arg17[%swap3A_393, %swap3A_394], %swap3A_397 {strides = array<i32>} : memref<8x1024xf32, #tpu.memory_space<vmem>>, vector<1x16xf32>,
        %add3A_398 = arith.constant 112 : i32
        %add3A_399 = arith.addi %mul3A_272, %add3A_398 : i32
        %get3A_400 = arith.index_cast %select_n3A : i32 to index
        %get3A_401 = arith.index_cast %add3A_399 : i32 to index
        %get3A_402 = tpu.vector_load %arg9[%get3A_400, %get3A_401] {strides = array<i32>} : memref<8x1024xf32, #tpu.memory_space<vmem>>, vector<1x16xf32>,
        %get3A_403 = vector.shape_cast %get3A_402 : vector<1x16xf32> to vector<16xf32>
        %mul3A_404 = arith.mulf %get3A_4, %get3A_403 : vector<16xf32>
        %get3A_405 = arith.index_cast %select_n3A : i32 to index
        %get3A_406 = arith.index_cast %add3A_399 : i32 to index
        %get3A_407 = tpu.vector_load %arg13[%get3A_405, %get3A_406] {strides = array<i32>} : memref<8x1024xf32, #tpu.memory_space<vmem>>, vector<1x16xf32>,
        %get3A_408 = vector.shape_cast %get3A_407 : vector<1x16xf32> to vector<16xf32>
        %mul3A_409 = arith.mulf %sub3A_6, %get3A_408 : vector<16xf32>
        %add3A_410 = arith.addf %mul3A_404, %mul3A_409 : vector<16xf32>
        %swap3A_411 = arith.index_cast %select_n3A : i32 to index
        %swap3A_412 = arith.index_cast %add3A_399 : i32 to index
        %swap3A_413 = tpu.vector_load %arg17[%swap3A_411, %swap3A_412] {strides = array<i32>} : memref<8x1024xf32, #tpu.memory_space<vmem>>, vector<1x16xf32>,
        %swap3A_414 = vector.shape_cast %swap3A_413 : vector<1x16xf32> to vector<16xf32>
        %swap3A_415 = vector.shape_cast %add3A_410 : vector<16xf32> to vector<1x16xf32>
        tpu.vector_store %arg17[%swap3A_411, %swap3A_412], %swap3A_415 {strides = array<i32>} : memref<8x1024xf32, #tpu.memory_space<vmem>>, vector<1x16xf32>,
      }
      %scan3A_187 = arith.constant 64 : i32
      %mul3A_188 = arith.constant 8 : i32
      %mul3A_189 = arith.muli %add3A_155, %mul3A_188 : i32
      %add3A_190 = arith.addi %mul3A_2, %mul3A_189 : i32
      %dma_start3A_191 = arith.constant 0 : i32
      %dma_start3A_192 = tpu.memref_slice %arg5[%add3A_190, %dma_start3A_191] : memref<4096x1024xf32, #tpu.memory_space<hbm>> -> memref<8x1024xf32, #tpu.memory_space<hbm>>
      %dma_start3A_193 = arith.constant 0 : i32
      %dma_start3A_194 = tpu.memref_slice %arg5[%add3A_190, %dma_start3A_193] : memref<4096x1024xf32, #tpu.memory_space<hbm>> -> memref<8x1024xf32, #tpu.memory_space<hbm>>
      tpu.enqueue_dma source(%arg17 : memref<8x1024xf32, #tpu.memory_space<vmem>>) target(%dma_start3A_194 : memref<8x1024xf32, #tpu.memory_space<hbm>>) target_semaphore(%arg25 : memref<!tpu.dma_semaphore, #tpu.memory_space<semaphore_mem>>)
      %mul3A_195 = arith.constant 4 : i32
      %mul3A_196 = arith.muli %scan3A_69, %mul3A_195 : i32
      %add3A_197 = arith.constant 3 : i32
      %add3A_198 = arith.addi %mul3A_196, %add3A_197 : i32
      %add3A_199 = arith.constant 4 : i32
      %add3A_200 = arith.addi %add3A_198, %add3A_199 : i32
      %sub3A_201 = arith.constant 1 : i32
      %sub3A_202 = arith.subi %add3A_200, %sub3A_201 : i32
      %mul3A_203 = arith.constant 8 : i32
      %mul3A_204 = arith.muli %add3A_198, %mul3A_203 : i32
      %add3A_205 = arith.addi %mul3A_2, %mul3A_204 : i32
      %add3A_206 = arith.constant 4096 : i32
      %add3A_207 = arith.addi %add3A_206, %add3A_205 : i32
      %dma_wait3A_208 = arith.constant 0 : i32
      %dma_wait3A_209 = tpu.memref_slice %arg2[%add3A_205, %dma_wait3A_208] : memref<8192x1024xf32, #tpu.memory_space<hbm>> -> memref<8x1024xf32, #tpu.memory_space<hbm>>
      %dma_wait3A_210 = arith.constant 0 : i32
      %dma_wait3A_211 = tpu.memref_slice %arg2[%add3A_205, %dma_wait3A_210] : memref<8192x1024xf32, #tpu.memory_space<hbm>> -> memref<8x1024xf32, #tpu.memory_space<hbm>>
      tpu.wait_dma2 semaphore(%arg22 : memref<!tpu.dma_semaphore, #tpu.memory_space<semaphore_mem>>) src(%dma_wait3A_211 : memref<8x1024xf32, #tpu.memory_space<hbm>>) dst(%arg10 : memref<8x1024xf32, #tpu.memory_space<vmem>>)
      %dma_wait3A_212 = arith.constant 0 : i32
      %dma_wait3A_213 = tpu.memref_slice %arg3[%add3A_207, %dma_wait3A_212] : memref<16383x1024xf32, #tpu.memory_space<hbm>> -> memref<8x1024xf32, #tpu.memory_space<hbm>>
      %dma_wait3A_214 = arith.constant 0 : i32
      %dma_wait3A_215 = tpu.memref_slice %arg3[%add3A_207, %dma_wait3A_214] : memref<16383x1024xf32, #tpu.memory_space<hbm>> -> memref<8x1024xf32, #tpu.memory_space<hbm>>
      tpu.wait_dma2 semaphore(%arg22 : memref<!tpu.dma_semaphore, #tpu.memory_space<semaphore_mem>>) src(%dma_wait3A_215 : memref<8x1024xf32, #tpu.memory_space<hbm>>) dst(%arg14 : memref<8x1024xf32, #tpu.memory_space<vmem>>)
      %ge3A_216 = arith.constant 4 : i32
      %ge3A_217 = arith.cmpi sge, %add3A_198, %ge3A_216 : i32
      %convert_element_type3A_218 = arith.extui %ge3A_217 : i1 to i32
      %cond3A_219 = arith.constant 0 : i32
      %cond3A_220 = arith.cmpi ne, %convert_element_type3A_218, %cond3A_219 : i32
      scf.if %cond3A_220 {
        %sub3A_238 = arith.constant 4 : i32
        %sub3A_239 = arith.subi %add3A_198, %sub3A_238 : i32
        %mul3A_240 = arith.constant 8 : i32
        %mul3A_241 = arith.muli %sub3A_239, %mul3A_240 : i32
        %add3A_242 = arith.addi %mul3A_2, %mul3A_241 : i32
        %dma_wait3A_243 = arith.constant 0 : i32
        %dma_wait3A_244 = tpu.memref_slice %arg5[%add3A_242, %dma_wait3A_243] : memref<4096x1024xf32, #tpu.memory_space<hbm>> -> memref<8x1024xf32, #tpu.memory_space<hbm>>
        %dma_wait3A_245 = arith.constant 0 : i32
        %dma_wait3A_246 = tpu.memref_slice %arg5[%add3A_242, %dma_wait3A_245] : memref<4096x1024xf32, #tpu.memory_space<hbm>> -> memref<8x1024xf32, #tpu.memory_space<hbm>>
        tpu.wait_dma2 semaphore(%arg26 : memref<!tpu.dma_semaphore, #tpu.memory_space<semaphore_mem>>) src(%arg18 : memref<8x1024xf32, #tpu.memory_space<vmem>>) dst(%dma_wait3A_246 : memref<8x1024xf32, #tpu.memory_space<hbm>>)
      } else {
      }
      %lt3A_221 = arith.constant 16 : i32
      %lt3A_222 = arith.cmpi slt, %sub3A_202, %lt3A_221 : i32
      %convert_element_type3A_223 = arith.extui %lt3A_222 : i1 to i32
      %cond3A_224 = arith.constant 0 : i32
      %cond3A_225 = arith.cmpi ne, %convert_element_type3A_223, %cond3A_224 : i32
      scf.if %cond3A_225 {
        %mul3A_238 = arith.constant 8 : i32
        %mul3A_239 = arith.muli %sub3A_202, %mul3A_238 : i32
        %add3A_240 = arith.addi %mul3A_2, %mul3A_239 : i32
        %add3A_241 = arith.constant 4096 : i32
        %add3A_242 = arith.addi %add3A_241, %add3A_240 : i32
        %dma_start3A_243 = arith.constant 0 : i32
        %dma_start3A_244 = tpu.memref_slice %arg2[%add3A_240, %dma_start3A_243] : memref<8192x1024xf32, #tpu.memory_space<hbm>> -> memref<8x1024xf32, #tpu.memory_space<hbm>>
        %dma_start3A_245 = arith.constant 0 : i32
        %dma_start3A_246 = tpu.memref_slice %arg2[%add3A_240, %dma_start3A_245] : memref<8192x1024xf32, #tpu.memory_space<hbm>> -> memref<8x1024xf32, #tpu.memory_space<hbm>>
        tpu.enqueue_dma source(%dma_start3A_246 : memref<8x1024xf32, #tpu.memory_space<hbm>>) target(%arg9 : memref<8x1024xf32, #tpu.memory_space<vmem>>) target_semaphore(%arg21 : memref<!tpu.dma_semaphore, #tpu.memory_space<semaphore_mem>>)
        %dma_start3A_247 = arith.constant 0 : i32
        %dma_start3A_248 = tpu.memref_slice %arg3[%add3A_242, %dma_start3A_247] : memref<16383x1024xf32, #tpu.memory_space<hbm>> -> memref<8x1024xf32, #tpu.memory_space<hbm>>
        %dma_start3A_249 = arith.constant 0 : i32
        %dma_start3A_250 = tpu.memref_slice %arg3[%add3A_242, %dma_start3A_249] : memref<16383x1024xf32, #tpu.memory_space<hbm>> -> memref<8x1024xf32, #tpu.memory_space<hbm>>
        tpu.enqueue_dma source(%dma_start3A_250 : memref<8x1024xf32, #tpu.memory_space<hbm>>) target(%arg13 : memref<8x1024xf32, #tpu.memory_space<vmem>>) target_semaphore(%arg21 : memref<!tpu.dma_semaphore, #tpu.memory_space<semaphore_mem>>)
      } else {
      }
      %scan3A_226 = arith.constant 0 : i32
      %scan3A_227 = arith.constant 64 : i32
      %scan3A_228 = arith.addi %scan3A_226, %scan3A_227 : i32
      %scan3A_229 = arith.constant 1 : i32
      scf.for %scan3A_238 = %scan3A_226 to %scan3A_228 step %scan3A_229  : i32 {
        %jit3A = arith.constant 8 : i32
        %div3A = arith.divsi %scan3A_238, %jit3A : i32
        %sign3A = arith.constant 0 : i32
        %sign3A_239 = arith.cmpi sgt, %scan3A_238, %sign3A : i32
        %sign3A_240 = arith.extui %sign3A_239 : i1 to i32
        %sign3A_241 = arith.constant 0 : i32
        %sign3A_242 = arith.cmpi slt, %scan3A_238, %sign3A_241 : i32
        %sign3A_243 = arith.extui %sign3A_242 : i1 to i32
        %sign3A_244 = arith.subi %sign3A_240, %sign3A_243 : i32
        %sign3A_245 = arith.constant 0 : i32
        %sign3A_246 = arith.cmpi sgt, %jit3A, %sign3A_245 : i32
        %sign3A_247 = arith.extui %sign3A_246 : i1 to i32
        %sign3A_248 = arith.constant 0 : i32
        %sign3A_249 = arith.cmpi slt, %jit3A, %sign3A_248 : i32
        %sign3A_250 = arith.extui %sign3A_249 : i1 to i32
        %sign3A_251 = arith.subi %sign3A_247, %sign3A_250 : i32
        %ne3A = arith.cmpi ne, %sign3A_244, %sign3A_251 : i32
        %rem3A = arith.remsi %scan3A_238, %jit3A : i32
        %ne3A_252 = arith.constant 0 : i32
        %ne3A_253 = arith.cmpi ne, %rem3A, %ne3A_252 : i32
        %and3A = arith.andi %ne3A, %ne3A_253 : i1
        %sub3A_254 = arith.constant 1 : i32
        %sub3A_255 = arith.subi %div3A, %sub3A_254 : i32
        %select_n3A = arith.select %and3A, %sub3A_255, %div3A : i32
        %jit3A_256 = arith.constant 8 : i32
        %eq3A = arith.constant 0 : i32
        %eq3A_257 = arith.cmpi eq, %jit3A_256, %eq3A : i32
        %jit3A_258 = arith.constant 1 : i32
        %select_n3A_259 = arith.select %eq3A_257, %jit3A_258, %jit3A_256 : i32
        %rem3A_260 = arith.remsi %scan3A_238, %select_n3A_259 : i32
        %ne3A_261 = arith.constant 0 : i32
        %ne3A_262 = arith.cmpi ne, %rem3A_260, %ne3A_261 : i32
        %lt3A_263 = arith.constant 0 : i32
        %lt3A_264 = arith.cmpi slt, %rem3A_260, %lt3A_263 : i32
        %lt3A_265 = arith.constant 0 : i32
        %lt3A_266 = arith.cmpi slt, %select_n3A_259, %lt3A_265 : i32
        %ne3A_267 = arith.xori %lt3A_264, %lt3A_266 : i1
        %and3A_268 = arith.andi %ne3A_267, %ne3A_262 : i1
        %add3A_269 = arith.addi %rem3A_260, %select_n3A_259 : i32
        %select_n3A_270 = arith.select %and3A_268, %add3A_269, %rem3A_260 : i32
        %mul3A_271 = arith.constant 128 : i32
        %mul3A_272 = arith.muli %select_n3A_270, %mul3A_271 : i32
        %add3A_273 = arith.constant 0 : i32
        %add3A_274 = arith.addi %mul3A_272, %add3A_273 : i32
        %get3A_275 = arith.index_cast %select_n3A : i32 to index
        %get3A_276 = arith.index_cast %add3A_274 : i32 to index
        %get3A_277 = tpu.vector_load %arg10[%get3A_275, %get3A_276] {strides = array<i32>} : memref<8x1024xf32, #tpu.memory_space<vmem>>, vector<1x16xf32>,
        %get3A_278 = vector.shape_cast %get3A_277 : vector<1x16xf32> to vector<16xf32>
        %mul3A_279 = arith.mulf %get3A_4, %get3A_278 : vector<16xf32>
        %get3A_280 = arith.index_cast %select_n3A : i32 to index
        %get3A_281 = arith.index_cast %add3A_274 : i32 to index
        %get3A_282 = tpu.vector_load %arg14[%get3A_280, %get3A_281] {strides = array<i32>} : memref<8x1024xf32, #tpu.memory_space<vmem>>, vector<1x16xf32>,
        %get3A_283 = vector.shape_cast %get3A_282 : vector<1x16xf32> to vector<16xf32>
        %mul3A_284 = arith.mulf %sub3A_6, %get3A_283 : vector<16xf32>
        %add3A_285 = arith.addf %mul3A_279, %mul3A_284 : vector<16xf32>
        %swap3A = arith.index_cast %select_n3A : i32 to index
        %swap3A_286 = arith.index_cast %add3A_274 : i32 to index
        %swap3A_287 = tpu.vector_load %arg18[%swap3A, %swap3A_286] {strides = array<i32>} : memref<8x1024xf32, #tpu.memory_space<vmem>>, vector<1x16xf32>,
        %swap3A_288 = vector.shape_cast %swap3A_287 : vector<1x16xf32> to vector<16xf32>
        %swap3A_289 = vector.shape_cast %add3A_285 : vector<16xf32> to vector<1x16xf32>
        tpu.vector_store %arg18[%swap3A, %swap3A_286], %swap3A_289 {strides = array<i32>} : memref<8x1024xf32, #tpu.memory_space<vmem>>, vector<1x16xf32>,
        %add3A_290 = arith.constant 16 : i32
        %add3A_291 = arith.addi %mul3A_272, %add3A_290 : i32
        %get3A_292 = arith.index_cast %select_n3A : i32 to index
        %get3A_293 = arith.index_cast %add3A_291 : i32 to index
        %get3A_294 = tpu.vector_load %arg10[%get3A_292, %get3A_293] {strides = array<i32>} : memref<8x1024xf32, #tpu.memory_space<vmem>>, vector<1x16xf32>,
        %get3A_295 = vector.shape_cast %get3A_294 : vector<1x16xf32> to vector<16xf32>
        %mul3A_296 = arith.mulf %get3A_4, %get3A_295 : vector<16xf32>
        %get3A_297 = arith.index_cast %select_n3A : i32 to index
        %get3A_298 = arith.index_cast %add3A_291 : i32 to index
        %get3A_299 = tpu.vector_load %arg14[%get3A_297, %get3A_298] {strides = array<i32>} : memref<8x1024xf32, #tpu.memory_space<vmem>>, vector<1x16xf32>,
        %get3A_300 = vector.shape_cast %get3A_299 : vector<1x16xf32> to vector<16xf32>
        %mul3A_301 = arith.mulf %sub3A_6, %get3A_300 : vector<16xf32>
        %add3A_302 = arith.addf %mul3A_296, %mul3A_301 : vector<16xf32>
        %swap3A_303 = arith.index_cast %select_n3A : i32 to index
        %swap3A_304 = arith.index_cast %add3A_291 : i32 to index
        %swap3A_305 = tpu.vector_load %arg18[%swap3A_303, %swap3A_304] {strides = array<i32>} : memref<8x1024xf32, #tpu.memory_space<vmem>>, vector<1x16xf32>,
        %swap3A_306 = vector.shape_cast %swap3A_305 : vector<1x16xf32> to vector<16xf32>
        %swap3A_307 = vector.shape_cast %add3A_302 : vector<16xf32> to vector<1x16xf32>
        tpu.vector_store %arg18[%swap3A_303, %swap3A_304], %swap3A_307 {strides = array<i32>} : memref<8x1024xf32, #tpu.memory_space<vmem>>, vector<1x16xf32>,
        %add3A_308 = arith.constant 32 : i32
        %add3A_309 = arith.addi %mul3A_272, %add3A_308 : i32
        %get3A_310 = arith.index_cast %select_n3A : i32 to index
        %get3A_311 = arith.index_cast %add3A_309 : i32 to index
        %get3A_312 = tpu.vector_load %arg10[%get3A_310, %get3A_311] {strides = array<i32>} : memref<8x1024xf32, #tpu.memory_space<vmem>>, vector<1x16xf32>,
        %get3A_313 = vector.shape_cast %get3A_312 : vector<1x16xf32> to vector<16xf32>
        %mul3A_314 = arith.mulf %get3A_4, %get3A_313 : vector<16xf32>
        %get3A_315 = arith.index_cast %select_n3A : i32 to index
        %get3A_316 = arith.index_cast %add3A_309 : i32 to index
        %get3A_317 = tpu.vector_load %arg14[%get3A_315, %get3A_316] {strides = array<i32>} : memref<8x1024xf32, #tpu.memory_space<vmem>>, vector<1x16xf32>,
        %get3A_318 = vector.shape_cast %get3A_317 : vector<1x16xf32> to vector<16xf32>
        %mul3A_319 = arith.mulf %sub3A_6, %get3A_318 : vector<16xf32>
        %add3A_320 = arith.addf %mul3A_314, %mul3A_319 : vector<16xf32>
        %swap3A_321 = arith.index_cast %select_n3A : i32 to index
        %swap3A_322 = arith.index_cast %add3A_309 : i32 to index
        %swap3A_323 = tpu.vector_load %arg18[%swap3A_321, %swap3A_322] {strides = array<i32>} : memref<8x1024xf32, #tpu.memory_space<vmem>>, vector<1x16xf32>,
        %swap3A_324 = vector.shape_cast %swap3A_323 : vector<1x16xf32> to vector<16xf32>
        %swap3A_325 = vector.shape_cast %add3A_320 : vector<16xf32> to vector<1x16xf32>
        tpu.vector_store %arg18[%swap3A_321, %swap3A_322], %swap3A_325 {strides = array<i32>} : memref<8x1024xf32, #tpu.memory_space<vmem>>, vector<1x16xf32>,
        %add3A_326 = arith.constant 48 : i32
        %add3A_327 = arith.addi %mul3A_272, %add3A_326 : i32
        %get3A_328 = arith.index_cast %select_n3A : i32 to index
        %get3A_329 = arith.index_cast %add3A_327 : i32 to index
        %get3A_330 = tpu.vector_load %arg10[%get3A_328, %get3A_329] {strides = array<i32>} : memref<8x1024xf32, #tpu.memory_space<vmem>>, vector<1x16xf32>,
        %get3A_331 = vector.shape_cast %get3A_330 : vector<1x16xf32> to vector<16xf32>
        %mul3A_332 = arith.mulf %get3A_4, %get3A_331 : vector<16xf32>
        %get3A_333 = arith.index_cast %select_n3A : i32 to index
        %get3A_334 = arith.index_cast %add3A_327 : i32 to index
        %get3A_335 = tpu.vector_load %arg14[%get3A_333, %get3A_334] {strides = array<i32>} : memref<8x1024xf32, #tpu.memory_space<vmem>>, vector<1x16xf32>,
        %get3A_336 = vector.shape_cast %get3A_335 : vector<1x16xf32> to vector<16xf32>
        %mul3A_337 = arith.mulf %sub3A_6, %get3A_336 : vector<16xf32>
        %add3A_338 = arith.addf %mul3A_332, %mul3A_337 : vector<16xf32>
        %swap3A_339 = arith.index_cast %select_n3A : i32 to index
        %swap3A_340 = arith.index_cast %add3A_327 : i32 to index
        %swap3A_341 = tpu.vector_load %arg18[%swap3A_339, %swap3A_340] {strides = array<i32>} : memref<8x1024xf32, #tpu.memory_space<vmem>>, vector<1x16xf32>,
        %swap3A_342 = vector.shape_cast %swap3A_341 : vector<1x16xf32> to vector<16xf32>
        %swap3A_343 = vector.shape_cast %add3A_338 : vector<16xf32> to vector<1x16xf32>
        tpu.vector_store %arg18[%swap3A_339, %swap3A_340], %swap3A_343 {strides = array<i32>} : memref<8x1024xf32, #tpu.memory_space<vmem>>, vector<1x16xf32>,
        %add3A_344 = arith.constant 64 : i32
        %add3A_345 = arith.addi %mul3A_272, %add3A_344 : i32
        %get3A_346 = arith.index_cast %select_n3A : i32 to index
        %get3A_347 = arith.index_cast %add3A_345 : i32 to index
        %get3A_348 = tpu.vector_load %arg10[%get3A_346, %get3A_347] {strides = array<i32>} : memref<8x1024xf32, #tpu.memory_space<vmem>>, vector<1x16xf32>,
        %get3A_349 = vector.shape_cast %get3A_348 : vector<1x16xf32> to vector<16xf32>
        %mul3A_350 = arith.mulf %get3A_4, %get3A_349 : vector<16xf32>
        %get3A_351 = arith.index_cast %select_n3A : i32 to index
        %get3A_352 = arith.index_cast %add3A_345 : i32 to index
        %get3A_353 = tpu.vector_load %arg14[%get3A_351, %get3A_352] {strides = array<i32>} : memref<8x1024xf32, #tpu.memory_space<vmem>>, vector<1x16xf32>,
        %get3A_354 = vector.shape_cast %get3A_353 : vector<1x16xf32> to vector<16xf32>
        %mul3A_355 = arith.mulf %sub3A_6, %get3A_354 : vector<16xf32>
        %add3A_356 = arith.addf %mul3A_350, %mul3A_355 : vector<16xf32>
        %swap3A_357 = arith.index_cast %select_n3A : i32 to index
        %swap3A_358 = arith.index_cast %add3A_345 : i32 to index
        %swap3A_359 = tpu.vector_load %arg18[%swap3A_357, %swap3A_358] {strides = array<i32>} : memref<8x1024xf32, #tpu.memory_space<vmem>>, vector<1x16xf32>,
        %swap3A_360 = vector.shape_cast %swap3A_359 : vector<1x16xf32> to vector<16xf32>
        %swap3A_361 = vector.shape_cast %add3A_356 : vector<16xf32> to vector<1x16xf32>
        tpu.vector_store %arg18[%swap3A_357, %swap3A_358], %swap3A_361 {strides = array<i32>} : memref<8x1024xf32, #tpu.memory_space<vmem>>, vector<1x16xf32>,
        %add3A_362 = arith.constant 80 : i32
        %add3A_363 = arith.addi %mul3A_272, %add3A_362 : i32
        %get3A_364 = arith.index_cast %select_n3A : i32 to index
        %get3A_365 = arith.index_cast %add3A_363 : i32 to index
        %get3A_366 = tpu.vector_load %arg10[%get3A_364, %get3A_365] {strides = array<i32>} : memref<8x1024xf32, #tpu.memory_space<vmem>>, vector<1x16xf32>,
        %get3A_367 = vector.shape_cast %get3A_366 : vector<1x16xf32> to vector<16xf32>
        %mul3A_368 = arith.mulf %get3A_4, %get3A_367 : vector<16xf32>
        %get3A_369 = arith.index_cast %select_n3A : i32 to index
        %get3A_370 = arith.index_cast %add3A_363 : i32 to index
        %get3A_371 = tpu.vector_load %arg14[%get3A_369, %get3A_370] {strides = array<i32>} : memref<8x1024xf32, #tpu.memory_space<vmem>>, vector<1x16xf32>,
        %get3A_372 = vector.shape_cast %get3A_371 : vector<1x16xf32> to vector<16xf32>
        %mul3A_373 = arith.mulf %sub3A_6, %get3A_372 : vector<16xf32>
        %add3A_374 = arith.addf %mul3A_368, %mul3A_373 : vector<16xf32>
        %swap3A_375 = arith.index_cast %select_n3A : i32 to index
        %swap3A_376 = arith.index_cast %add3A_363 : i32 to index
        %swap3A_377 = tpu.vector_load %arg18[%swap3A_375, %swap3A_376] {strides = array<i32>} : memref<8x1024xf32, #tpu.memory_space<vmem>>, vector<1x16xf32>,
        %swap3A_378 = vector.shape_cast %swap3A_377 : vector<1x16xf32> to vector<16xf32>
        %swap3A_379 = vector.shape_cast %add3A_374 : vector<16xf32> to vector<1x16xf32>
        tpu.vector_store %arg18[%swap3A_375, %swap3A_376], %swap3A_379 {strides = array<i32>} : memref<8x1024xf32, #tpu.memory_space<vmem>>, vector<1x16xf32>,
        %add3A_380 = arith.constant 96 : i32
        %add3A_381 = arith.addi %mul3A_272, %add3A_380 : i32
        %get3A_382 = arith.index_cast %select_n3A : i32 to index
        %get3A_383 = arith.index_cast %add3A_381 : i32 to index
        %get3A_384 = tpu.vector_load %arg10[%get3A_382, %get3A_383] {strides = array<i32>} : memref<8x1024xf32, #tpu.memory_space<vmem>>, vector<1x16xf32>,
        %get3A_385 = vector.shape_cast %get3A_384 : vector<1x16xf32> to vector<16xf32>
        %mul3A_386 = arith.mulf %get3A_4, %get3A_385 : vector<16xf32>
        %get3A_387 = arith.index_cast %select_n3A : i32 to index
        %get3A_388 = arith.index_cast %add3A_381 : i32 to index
        %get3A_389 = tpu.vector_load %arg14[%get3A_387, %get3A_388] {strides = array<i32>} : memref<8x1024xf32, #tpu.memory_space<vmem>>, vector<1x16xf32>,
        %get3A_390 = vector.shape_cast %get3A_389 : vector<1x16xf32> to vector<16xf32>
        %mul3A_391 = arith.mulf %sub3A_6, %get3A_390 : vector<16xf32>
        %add3A_392 = arith.addf %mul3A_386, %mul3A_391 : vector<16xf32>
        %swap3A_393 = arith.index_cast %select_n3A : i32 to index
        %swap3A_394 = arith.index_cast %add3A_381 : i32 to index
        %swap3A_395 = tpu.vector_load %arg18[%swap3A_393, %swap3A_394] {strides = array<i32>} : memref<8x1024xf32, #tpu.memory_space<vmem>>, vector<1x16xf32>,
        %swap3A_396 = vector.shape_cast %swap3A_395 : vector<1x16xf32> to vector<16xf32>
        %swap3A_397 = vector.shape_cast %add3A_392 : vector<16xf32> to vector<1x16xf32>
        tpu.vector_store %arg18[%swap3A_393, %swap3A_394], %swap3A_397 {strides = array<i32>} : memref<8x1024xf32, #tpu.memory_space<vmem>>, vector<1x16xf32>,
        %add3A_398 = arith.constant 112 : i32
        %add3A_399 = arith.addi %mul3A_272, %add3A_398 : i32
        %get3A_400 = arith.index_cast %select_n3A : i32 to index
        %get3A_401 = arith.index_cast %add3A_399 : i32 to index
        %get3A_402 = tpu.vector_load %arg10[%get3A_400, %get3A_401] {strides = array<i32>} : memref<8x1024xf32, #tpu.memory_space<vmem>>, vector<1x16xf32>,
        %get3A_403 = vector.shape_cast %get3A_402 : vector<1x16xf32> to vector<16xf32>
        %mul3A_404 = arith.mulf %get3A_4, %get3A_403 : vector<16xf32>
        %get3A_405 = arith.index_cast %select_n3A : i32 to index
        %get3A_406 = arith.index_cast %add3A_399 : i32 to index
        %get3A_407 = tpu.vector_load %arg14[%get3A_405, %get3A_406] {strides = array<i32>} : memref<8x1024xf32, #tpu.memory_space<vmem>>, vector<1x16xf32>,
        %get3A_408 = vector.shape_cast %get3A_407 : vector<1x16xf32> to vector<16xf32>
        %mul3A_409 = arith.mulf %sub3A_6, %get3A_408 : vector<16xf32>
        %add3A_410 = arith.addf %mul3A_404, %mul3A_409 : vector<16xf32>
        %swap3A_411 = arith.index_cast %select_n3A : i32 to index
        %swap3A_412 = arith.index_cast %add3A_399 : i32 to index
        %swap3A_413 = tpu.vector_load %arg18[%swap3A_411, %swap3A_412] {strides = array<i32>} : memref<8x1024xf32, #tpu.memory_space<vmem>>, vector<1x16xf32>,
        %swap3A_414 = vector.shape_cast %swap3A_413 : vector<1x16xf32> to vector<16xf32>
        %swap3A_415 = vector.shape_cast %add3A_410 : vector<16xf32> to vector<1x16xf32>
        tpu.vector_store %arg18[%swap3A_411, %swap3A_412], %swap3A_415 {strides = array<i32>} : memref<8x1024xf32, #tpu.memory_space<vmem>>, vector<1x16xf32>,
      }
      %scan3A_230 = arith.constant 64 : i32
      %mul3A_231 = arith.constant 8 : i32
      %mul3A_232 = arith.muli %add3A_198, %mul3A_231 : i32
      %add3A_233 = arith.addi %mul3A_2, %mul3A_232 : i32
      %dma_start3A_234 = arith.constant 0 : i32
      %dma_start3A_235 = tpu.memref_slice %arg5[%add3A_233, %dma_start3A_234] : memref<4096x1024xf32, #tpu.memory_space<hbm>> -> memref<8x1024xf32, #tpu.memory_space<hbm>>
      %dma_start3A_236 = arith.constant 0 : i32
      %dma_start3A_237 = tpu.memref_slice %arg5[%add3A_233, %dma_start3A_236] : memref<4096x1024xf32, #tpu.memory_space<hbm>> -> memref<8x1024xf32, #tpu.memory_space<hbm>>
      tpu.enqueue_dma source(%arg18 : memref<8x1024xf32, #tpu.memory_space<vmem>>) target(%dma_start3A_237 : memref<8x1024xf32, #tpu.memory_space<hbm>>) target_semaphore(%arg26 : memref<!tpu.dma_semaphore, #tpu.memory_space<semaphore_mem>>)
    }
    %scan3A_45 = arith.constant 4 : i32
    %add3A_46 = arith.constant 96 : i32
    %add3A_47 = arith.addi %mul3A_2, %add3A_46 : i32
    %dma_wait3A = arith.constant 0 : i32
    %dma_wait3A_48 = tpu.memref_slice %arg5[%add3A_47, %dma_wait3A] : memref<4096x1024xf32, #tpu.memory_space<hbm>> -> memref<8x1024xf32, #tpu.memory_space<hbm>>
    %dma_wait3A_49 = arith.constant 0 : i32
    %dma_wait3A_50 = tpu.memref_slice %arg5[%add3A_47, %dma_wait3A_49] : memref<4096x1024xf32, #tpu.memory_space<hbm>> -> memref<8x1024xf32, #tpu.memory_space<hbm>>
    tpu.wait_dma2 semaphore(%arg23 : memref<!tpu.dma_semaphore, #tpu.memory_space<semaphore_mem>>) src(%arg15 : memref<8x1024xf32, #tpu.memory_space<vmem>>) dst(%dma_wait3A_50 : memref<8x1024xf32, #tpu.memory_space<hbm>>)
    %add3A_51 = arith.constant 104 : i32
    %add3A_52 = arith.addi %mul3A_2, %add3A_51 : i32
    %dma_wait3A_53 = arith.constant 0 : i32
    %dma_wait3A_54 = tpu.memref_slice %arg5[%add3A_52, %dma_wait3A_53] : memref<4096x1024xf32, #tpu.memory_space<hbm>> -> memref<8x1024xf32, #tpu.memory_space<hbm>>
    %dma_wait3A_55 = arith.constant 0 : i32
    %dma_wait3A_56 = tpu.memref_slice %arg5[%add3A_52, %dma_wait3A_55] : memref<4096x1024xf32, #tpu.memory_space<hbm>> -> memref<8x1024xf32, #tpu.memory_space<hbm>>
    tpu.wait_dma2 semaphore(%arg24 : memref<!tpu.dma_semaphore, #tpu.memory_space<semaphore_mem>>) src(%arg16 : memref<8x1024xf32, #tpu.memory_space<vmem>>) dst(%dma_wait3A_56 : memref<8x1024xf32, #tpu.memory_space<hbm>>)
    %add3A_57 = arith.constant 112 : i32
    %add3A_58 = arith.addi %mul3A_2, %add3A_57 : i32
    %dma_wait3A_59 = arith.constant 0 : i32
    %dma_wait3A_60 = tpu.memref_slice %arg5[%add3A_58, %dma_wait3A_59] : memref<4096x1024xf32, #tpu.memory_space<hbm>> -> memref<8x1024xf32, #tpu.memory_space<hbm>>
    %dma_wait3A_61 = arith.constant 0 : i32
    %dma_wait3A_62 = tpu.memref_slice %arg5[%add3A_58, %dma_wait3A_61] : memref<4096x1024xf32, #tpu.memory_space<hbm>> -> memref<8x1024xf32, #tpu.memory_space<hbm>>
    tpu.wait_dma2 semaphore(%arg25 : memref<!tpu.dma_semaphore, #tpu.memory_space<semaphore_mem>>) src(%arg17 : memref<8x1024xf32, #tpu.memory_space<vmem>>) dst(%dma_wait3A_62 : memref<8x1024xf32, #tpu.memory_space<hbm>>)
    %add3A_63 = arith.constant 120 : i32
    %add3A_64 = arith.addi %mul3A_2, %add3A_63 : i32
    %dma_wait3A_65 = arith.constant 0 : i32
    %dma_wait3A_66 = tpu.memref_slice %arg5[%add3A_64, %dma_wait3A_65] : memref<4096x1024xf32, #tpu.memory_space<hbm>> -> memref<8x1024xf32, #tpu.memory_space<hbm>>
    %dma_wait3A_67 = arith.constant 0 : i32
    %dma_wait3A_68 = tpu.memref_slice %arg5[%add3A_64, %dma_wait3A_67] : memref<4096x1024xf32, #tpu.memory_space<hbm>> -> memref<8x1024xf32, #tpu.memory_space<hbm>>
    tpu.wait_dma2 semaphore(%arg26 : memref<!tpu.dma_semaphore, #tpu.memory_space<semaphore_mem>>) src(%arg18 : memref<8x1024xf32, #tpu.memory_space<vmem>>) dst(%dma_wait3A_68 : memref<8x1024xf32, #tpu.memory_space<hbm>>)
    return
  }
}

</mosaic_0001>

<sc_bundles>
// kernel: kernel.3.cloned.1.call-start
scs
__scs_entry_jumppad:
0x0: {  	(pc) =	sbr.rel $0x88, $3  }
0x1: {  	(tag) =	ssettag $0x0;
	lr =	simm.s32 $0x1  }
0x2: {  	[smem:$0x3F9E] =	sst lr;
	_ =	strace $0xD0000000  }
0x3: {  	_ = 	snop  }
0x4: {  	_ = 	snop  }
0x5: {  	_ = 	snop  }
0x6: {  	_ = 	snop  }
0x7: {  	_ = 	snop  }
__scs_overlays_trampoline_lowered:
0x8: {  	[smem:$0x3FAD] =	sst s0  }
0x9: {  	[smem:$0x3FAE] =	sst s1  }
0xa: {  	[smem:$0x3FAF] =	sst s2  }
0xb: {  	[smem:$0x3FB0] =	sst s3  }
0xc: {  	[smem:$0x3FB1] =	sst s4  }
0xd: {  	[smem:$0x3FB2] =	sst s5  }
0xe: {  	[smem:$0x3FB3] =	sst s6  }
0xf: {  	[smem:$0x3FB4] =	sst s7  }
0x10: {  	[smem:$0x3FB5] =	sst s8  }
0x11: {  	[smem:$0x3FB6] =	sst s9;
	s0 =	simm.s32 @!p0 $0x0  }
0x12: {  	s1 =	sld [smem:$0x3F9C];
	s0 =	simm.s32 @p0 $0x1  }
0x13: {  	[smem:$0x3FB7] =	sst s0;
	s0 =	simm.s32 @!p1 $0x0  }
0x14: {  	s2 =	sld [smem:$0x3F9B];
	s0 =	simm.s32 @p1 $0x1  }
0x15: {  	[smem:$0x3FB8] =	sst s0;
	s0 =	simm.s32 @!p2 $0x0  }
0x16: {  	s3 =	sld [smem:$0x3FDB];
	s0 =	simm.s32 @p2 $0x1  }
0x17: {  	s4 =	simm.s32 $0x1BF5;
	[smem:$0x3FBA] =	sst s0  }
0x18: {  	s0 =	sld [smem:$0x3F9D];
	_ =	swait.ge [sflag:s4], $0x0  }
0x19: {  	s7 =	sld [smem:$0x3F9E]  }
0x1a: {  	s8 =	sadd.s32 $0xFFFFE003, lr  }
0x1b: {  	s9 =	sadd.s32 $0xFFFFFEF7, lr;
	s5 =	simm.s32 $0xFFFFFFFF;
	p2 =	slt.u32 s8, $0xFFFFF086  }
0x1c: {  	p1 =	slt.u32 s9, $0xF7A;
	s5 =	simm.s32 @!p2 $0x0  }
0x1d: {  	s5 =	simm.s32 @p1 $0x1;
	p0 =	seq.s32 s7, s2  }
0x1e: {  	s7 =	smul.u32 @!p0 $0xF7A, s2;
	p2 =	seq.s32 @!p0 s5, $0x0  }
0x1f: {  	s9 =	smul.u32 $0xF7A, s1;
	s8 =	simm.s32 @!p0 $0x1BF5;
	p2 =	por !p2, p0  }
0x20: {  	[sflag:s8] =	ssyncset.s32 @!p0 $0xFFFFF086;
	s6 =	sadd.s32 @!p0 s3, s7;
	s7 =	simm.s32 @!p0 $0x108  }
0x21: {  	s3 =	sadd.s32 s3, s9;
	s6 =	sadd.s32 @!p0 $0x88, s6;
	s7 =	simm.s32 @p2 $0x1082  }
0x22: {  	[simem:s7], [sflag:s8] =	dma.local @!p0 [hbm:s6], $0xF7A  }
0x23: {  	s9 =	sor.u32 $0xD0000000, s2;
	s6 =	simm.s32 $0x108;
	_ =	swait.ge @!p0 [sflag:s8], $0x0  }
0x24: {  	s3 =	sadd.s32 $0x88, s3;
	s6 =	simm.s32 @!p1 $0x1082;
	[sflag:s4] =	ssyncset.s32 $0xFFFFF086  }
0x25: {  	[simem:s6], [sflag:s4] =	dma.local [hbm:s3], $0xF7A  }
0x26: {  	[smem:$0x3F9E] =	sst s1;
	(tag) =	ssettag s2;
	_ =	strace s9  }
0x27: {  	s1 =	sld [smem:$0x3FAE]  }
0x28: {  	s2 =	sld [smem:$0x3FAF]  }
0x29: {  	s4 =	sld [smem:$0x3FB1]  }
0x2a: {  	p0 =	seq.s32 s5, $0x0;
	s5 =	sld [smem:$0x3FB2]  }
0x2b: {  	s6 =	sld [smem:$0x3FB3]  }
0x2c: {  	s7 =	sld [smem:$0x3FB4]  }
0x2d: {  	s3 =	simm.s32 $0x108;
	s8 =	sld [smem:$0x3FB5]  }
0x2e: {  	s3 =	simm.s32 @!p0 $0x1082;
	s9 =	sld [smem:$0x3FB6]  }
0x2f: {  	lr =	sadd.s32 s0, s3;
	s0 =	sld [smem:$0x3FAD]  }
0x30: {  	s3 =	sld [smem:$0x3FB0]  }
0x31: {  	[smem:$0x3FB9] =	sst s10  }
0x32: {  	s10 =	sld [smem:$0x3FB7];
	_ =	sdelay $0x3  }
0x33: {  	p0 =	seq.s32 s10, $0x1;
	s10 =	sld [smem:$0x3FB9];
	_ =	sdelay $0x3  }
0x34: {  	[smem:$0x3FB9] =	sst s10  }
0x35: {  	s10 =	sld [smem:$0x3FB8];
	_ =	sdelay $0x3  }
0x36: {  	p1 =	seq.s32 s10, $0x1;
	s10 =	sld [smem:$0x3FB9];
	_ =	sdelay $0x3  }
0x37: {  	[smem:$0x3FB9] =	sst s10  }
0x38: {  	s10 =	sld [smem:$0x3FBA]  }
0x39: {  	_ = 	snop;
	(pc) =	sbr.ind lr, $3  }
0x3a: {  	_ = 	snop  }
0x3b: {  	_ = 	snop  }
0x3c: {  	p2 =	seq.s32 s10, $0x1;
	s10 =	sld [smem:$0x3FB9]  }
0x3d: {  	_ =	shalt  }
0x3e: {  	_ =	shalt  }
0x3f: {  	_ =	shalt  }
0x40: {  	_ =	shalt  }
0x41: {  	_ =	shalt  }
0x42: {  	_ =	shalt  }
0x43: {  	_ =	shalt  }
0x44: {  	_ =	shalt  }
0x45: {  	_ =	shalt  }
0x46: {  	_ =	shalt  }
0x47: {  	_ =	shalt  }
0x48: {  	_ =	shalt  }
0x49: {  	_ =	shalt  }
0x4a: {  	_ =	shalt  }
0x4b: {  	_ =	shalt  }
0x4c: {  	_ =	shalt  }
0x4d: {  	_ =	shalt  }
0x4e: {  	_ =	shalt  }
0x4f: {  	_ =	shalt  }
0x50: {  	_ =	shalt  }
0x51: {  	_ =	shalt  }
0x52: {  	_ =	shalt  }
0x53: {  	_ =	shalt  }
0x54: {  	_ =	shalt  }
0x55: {  	_ =	shalt  }
0x56: {  	_ =	shalt  }
0x57: {  	_ =	shalt  }
0x58: {  	_ =	shalt  }
0x59: {  	_ =	shalt  }
0x5a: {  	_ =	shalt  }
0x5b: {  	_ =	shalt  }
0x5c: {  	_ =	shalt  }
0x5d: {  	_ =	shalt  }
0x5e: {  	_ =	shalt  }
0x5f: {  	_ =	shalt  }
0x60: {  	_ =	shalt  }
0x61: {  	_ =	shalt  }
0x62: {  	_ =	shalt  }
0x63: {  	_ =	shalt  }
0x64: {  	_ =	shalt  }
0x65: {  	_ =	shalt  }
0x66: {  	_ =	shalt  }
0x67: {  	_ =	shalt  }
0x68: {  	_ =	shalt  }
0x69: {  	_ =	shalt  }
0x6a: {  	_ =	shalt  }
0x6b: {  	_ =	shalt  }
0x6c: {  	_ =	shalt  }
0x6d: {  	_ =	shalt  }
0x6e: {  	_ =	shalt  }
0x6f: {  	_ =	shalt  }
0x70: {  	_ =	shalt  }
0x71: {  	_ =	shalt  }
0x72: {  	_ =	shalt  }
0x73: {  	_ =	shalt  }
0x74: {  	_ =	shalt  }
0x75: {  	_ =	shalt  }
0x76: {  	_ =	shalt  }
0x77: {  	_ =	shalt  }
0x78: {  	_ =	shalt  }
0x79: {  	_ =	shalt  }
0x7a: {  	_ =	shalt  }
0x7b: {  	_ =	shalt  }
0x7c: {  	_ =	shalt  }
0x7d: {  	_ =	shalt  }
0x7e: {  	_ =	shalt  }
0x7f: {  	_ =	shalt  }
0x80: {  	_ =	shalt  }
0x81: {  	_ =	shalt  }
0x82: {  	_ =	shalt  }
0x83: {  	_ =	shalt  }
0x84: {  	_ =	shalt  }
0x85: {  	_ =	shalt  }
0x86: {  	_ =	shalt  }
0x87: {  	_ =	shalt  }
.Lfunc_end0:
.L_simem_size_0:
called_computation_lowered:
.L_overlay_start_0:
0x88: {  	s2 =	sld [smem:$0x3FD9]  }
0x89: {  	s3 =	sld [smem:$0x3FFE];
	_ =	sdelay $0x1  }
0x8a: {  	s1 =	srdreg.scid  }
0x8b: {  	s0 =	sand.u32 $0x1, s1  }
0x8c: {  	s17 =	sshll.u32 s0, $0xA;
	s2 =	sadd.s32 s3, s2  }
0x8d: {  	s2 =	sadd.s32 s2, s17  }
0x8e: {  	[smem:$0x3FC5] =	sst s2  }
0x8f: {  	_ = 	snop  }
0x90: {  	s2 =	sld [smem:$0x3FC9]  }
0x91: {  	s18 =	sld [smem:$0x3FC8]  }
0x92: {  	s4 =	sld [smem:$0x3FD0];
	(tm) =	ssettm $0x1  }
0x93: {  	s5 =	sld [smem:$0x3FFB];
	_ =	sdelay $0x3  }
0x94: {  	_ =	strace s5  }
0x95: {  	s5 =	sld [smem:$0x3FFC];
	_ =	sdelay $0x3  }
0x96: {  	_ =	strace s5  }
0x97: {  	s5 =	sld [smem:$0x3FFD];
	_ =	sdelay $0x3  }
0x98: {  	_ =	strace s5  }
0x99: {  	_ =	strace $0x8FFFFFFF  }
0x9a: {  	s19 =	sld [smem:$0x3FDB];
	_ =	sdelay $0x1  }
0x9b: {  	s6 =	simm.s32 $_scs_section_size  }
0x9c: {  	s7 =	simm.s32 $_size__tile_overlayer_lowered;
	s8 =	simm.s32 $_tile_overlayer_lowered  }
0x9d: {  	s22 =	simm.s32 $0x1BFF;
	s21 =	sshll.u32 s8, $0x1;
	s5 =	sadd.s32 s6, s19  }
0x9e: {  	s9 =	simm.s32 $0x0;
	s20 =	sshll.u32 s7, $0x1;
	s7 =	sadd.s32 s21, s5  }
0x9f: {  	[timem:s9], [sflag:s22] =	dma.local [hbm:s7], s20  }
0xa0: {  	_ =	swait.ge [sflag:s22], s20  }
0xa1: {  	s6 =	ssub.s32 $0x0, s20;
	[sflag:s22] =	ssyncset.done $0x0  }
0xa2: {  	[sflag:s22] =	ssyncadd.s32 s6;
	_ =	sdelay $0x1  }
0xa3: {  	s23 =	simm.s32 $0x1B8B  }
0xa4: {  	_ =	swait.ge [sflag:s23], $0x1  }
0xa5: {  	[sflag:s23] =	ssyncset.done $0x0  }
0xa6: {  	s25 =	simm.s32 $0x1B8E;
	s24 =	sld [smem:$0x3FFE];
	[sflag:s23] =	ssyncadd.s32 $0xFFFFFFFF  }
0xa7: {  	s26 =	simm.s32 $execute0_lowered;
	[smem:$0x3FD2] =	sst s25  }
0xa8: {  	s7 =	sshll.u32 s26, $0x1;
	_ =	strace $0x80000046;
	[dreg:$0x1] =	wrdreg $0xFFFFFFFF  }
0xa9: {  	s28 =	simm.s32 $_size_execute0_lowered;
	s5 =	sadd.s32 s5, s7;
	[dreg:$0x0] =	wrdreg $0x0  }
0xaa: {  	s7 =	sshll.u32 s28, $0x1;
	[dreg:$0x2] =	wrdreg s5  }
0xab: {  	[dreg:$0x3] =	wrdreg s7  }
0xac: {  	[dreg:$0x4] =	wrdreg $0xC0  }
0xad: {  	_ =	task [dreg:s9], $0x5FFFF  }
0xae: {  	[dreg:$0x1] =	wrdreg $0xFFFFFFFF  }
0xaf: {  	[dreg:$0x0] =	wrdreg $0x60  }
0xb0: {  	[dreg:$0x2] =	wrdreg s2  }
0xb1: {  	[dreg:$0x3] =	wrdreg s18  }
0xb2: {  	[dreg:$0x4] =	wrdreg s24  }
0xb3: {  	[dreg:$0x5] =	wrdreg s4  }
0xb4: {  	[dreg:$0x6] =	wrdreg $0x9  }
0xb5: {  	_ =	task.clear_ibuf [dreg:s9], $0x7FFFF;
	_ =	strace $0x90000046  }
0xb6: {  	s29 =	simm.s32 $0x9;
	_ =	strace $0x80000048  }
0xb7: {  	_ =	swait.ge [sflag:s29], $0x1  }
0xb8: {  	[sflag:s29] =	ssyncadd.s32 $0xFFFFFFFF  }
0xb9: {  	_ =	strace $0x90000048  }
0xba: {  	_ =	sfence  }
0xbb: {  	s30 =	sld [smem:$0x0];
	_ =	sdelay $0x2  }
0xbc: {  	s31 =	sshll.u32 s1, $0xD;
	s1 =	sshrl.u32 s1, $0x2  }
0xbd: {  	s3 =	sand.u32 $0x4000, s31;
	s1 =	sadd.s32 s1, s30  }
0xbe: {  	s0 =	sor.u32 s3, s0;
	s1 =	sshll.u32 s1, $0x11  }
0xbf: {  	s0 =	sor.u32 s1, s0  }
0xc0: {  	s0 =	sadd.s32 $0x8F2B, s0  }
0xc1: {  	[sflag:s0] =	ssyncadd.remote.s32 $0x1  }
0xc2: {  	_ =	sfence.sel $0xFFFF  }
0xc3: {  	[dreg:$0x0] =	wrdreg $0xFFFFFFFF;
	(pc) =	sbr.abs _section_cstart, $3  }
0xc4: {  	[dreg:$0x1] =	wrdreg $0xFFFFFFFF  }
0xc5: {  	_ =	task.clear_ibuf [dreg:s9], $0x2FFFF;
	_ =	strace $0x9FFFFFFF  }
0xc6: {  	(tm) =	ssettm $0x7FFFFFFF  }
0xc7: {  	_ =	shalt  }
tec
execute0_lowered:
.L_overlay_start_1:
0x0: {  	(tag) =	ssettag $0x1  }
0x1: {  	s1 =	rddreg [dreg:$0x0]  }
0x2: {  	s0 =	rddreg [dreg:$0x1]  }
0x3: {  	s3 =	rddreg [dreg:$0x2]  }
0x4: {  	s2 =	rddreg [dreg:$0x3];
	s4 =	simm.s32 $0x0  }
0x5: {  	s5 =	srdreg.scid;
	s7 =	stileid.u32;
	s29 =	simm.s32 $0x1  }
0x6: {  	s31 =	simm.s32 $0xE080;
	s10 =	simm.s32 $0x3;
	s11 =	simm.s32 $0x14080  }
0x7: {  	s12 =	simm.s32 $0x4;
	s13 =	simm.s32 $0x16080;
	s5 =	sand.u32 $0x1, s5  }
0x8: {  	s7 =	sshll.u32 s7, $0x8;
	s6 =	ssub.s32 $0x2, s5;
	s5 =	sshll.u32 s5, $0x7  }
0x9: {  	[smem:$0x7FF] =	sst s4;
	s3 =	sadd.s32 $0x400, s3;
	s5 =	sor.u32 s5, s7  }
0xa: {  	_ =	strace $0x80000047;
	[dreg:$0x5] =	wrdreg s3;
	s25 =	sor.u32 $0x20, s5  }
0xb: {  	s9 =	sadd.s32 $0x80000, s0;
	s26 =	sor.u32 $0x28, s5;
	[dreg:$0xc] =	wrdreg s25  }
0xc: {  	s7 =	sshll.u32 s5, $0x7;
	s28 =	sor.u32 $0x30, s5;
	[dreg:$0xd] =	wrdreg s26  }
0xd: {  	s8 =	sshrl.u32 s6, $0x1;
	s22 =	sadd.s32 s7, s9;
	[dreg:$0xe] =	wrdreg s28  }
0xe: {  	s20 =	ssub.s32 s6, s8;
	s21 =	sadd.s32 s1, s7;
	[dreg:$0x7] =	wrdreg s22  }
0xf: {  	s16 =	simm.s32 $0x0;
	s30 =	smax.u32 s20, $0x1;
	[dreg:$0x6] =	wrdreg s21  }
0x10: {  	s0 =	sadd.s32 s7, s0;
	s23 =	sadd.s32 $0x400, s21;
	[dreg:$0xf] =	wrdreg s30  }
0x11: {  	s3 =	simm.s32 $0x2;
	s24 =	sadd.s32 $0x80400, s0;
	[dreg:$0x8] =	wrdreg s23  }
0x12: {  	s18 =	sshrl.u32 s5, $0x3;
	s6 =	sadd.s32 $0x800, s21;
	[dreg:$0x9] =	wrdreg s24  }
0x13: {  	s15 =	sadd.s32 s2, s7;
	s0 =	sadd.s32 $0x80800, s0;
	[dreg:$0xa] =	wrdreg s6  }
0x14: {  	[dreg:$0xb] =	wrdreg s0;
	s0 =	simm.s32 $0x10080;
	s6 =	simm.s32 $0x12080  }
.LBB2_1:
0x15: {  	[dreg:$0x10] =	wrdreg s16  }
0x16: {  	s8 =	rddreg [dreg:$0x5];
	s16 =	simm.s32 $0x9  }
0x17: {  	[tilespmem:s4], [sflag:$0x9] =	stream.linear.gather [hbm4b:s8+s4], $0x80, $0x38;
	[tilespmem:$0x18080] =	vst v63  }
0x18: {  	_ =	swait.ge [sflag:s16], $0x80  }
0x19: {  	[sflag:s16] =	ssyncset.done $0x0  }
0x1a: {  	s14 =	simm.s32 $0x80;
	s17 =	rddreg [dreg:$0x6];
	[sflag:s16] =	ssyncadd.s32 $0xFFFFFF80  }
0x1b: {  	v0 =	vld [tilespmem:$0x0];
	[tilespmem:s14], [sflag:$0x1] =	stream.linear.gather [hbm4b:s17+s4], $0x2000, $0x38  }
0x1c: {  	s20 =	simm.s32 $0x8080;
	s19 =	rddreg [dreg:$0x7]  }
0x1d: {  	[tilespmem:s20], [sflag:$0x1] =	stream.linear.gather [hbm4b:s19+s4], $0x2000, $0x38;
	[tilespmem:$0x18080] =	vst v63  }
0x1e: {  	s22 =	simm.s32 $0x2080;
	s21 =	rddreg [dreg:$0x8]  }
0x1f: {  	[tilespmem:s22], [sflag:$0x2] =	stream.linear.gather [hbm4b:s21+s4], $0x2000, $0x38;
	[tilespmem:$0x18080] =	vst v63  }
0x20: {  	s24 =	simm.s32 $0xA080;
	s23 =	rddreg [dreg:$0x9]  }
0x21: {  	[tilespmem:s24], [sflag:$0x2] =	stream.linear.gather [hbm4b:s23+s4], $0x2000, $0x38;
	[tilespmem:$0x18080] =	vst v63  }
0x22: {  	s26 =	simm.s32 $0x4080;
	s25 =	rddreg [dreg:$0xa]  }
0x23: {  	[tilespmem:s26], [sflag:$0x3] =	stream.linear.gather [hbm4b:s25+s4], $0x2000, $0x38;
	[tilespmem:$0x18080] =	vst v63  }
0x24: {  	s30 =	simm.s32 $0xC080;
	s28 =	rddreg [dreg:$0xb];
	s20 =	simm.s32 $0x0  }
0x25: {  	v1 =	vsub.f32 $1.000000000e+00, v0;
	[tilespmem:s30], [sflag:$0x3] =	stream.linear.gather [hbm4b:s28+s4], $0x2000, $0x38;
	[tilespmem:$0x18080] =	vst v63  }
.LBB2_2:
0x26: {  	_ =	swait.ge [sflag:s29], $0x2000  }
0x27: {  	[sflag:s29] =	ssyncset.done $0x0  }
0x28: {  	[sflag:s29] =	ssyncadd.s32 $0xFFFFE000  }
0x29: {  	_ =	swait.ge [sflag:s29], $0x2000  }
0x2a: {  	p0 =	seq.s32 s20, $0x0;
	[sflag:s29] =	ssyncset.done $0x0  }
0x2b: {  	s8 =	sshllo.u32 s20, $0x2;
	s14 =	simm.s32 @!p0 $0x5;
	[sflag:s29] =	ssyncadd.s32 $0xFFFFE000  }
0x2c: {  	s16 =	sshll.u32 s8, $0xA;
	_ =	swait.ge @!p0 [sflag:s14], $0x2000  }
0x2d: {  	s21 =	simm.s32 $0x0;
	s16 =	sadd.s32 s7, s16;
	[sflag:s14] =	ssyncset.done @!p0 $0x0  }
0x2e: {  	s17 =	simm.s32 $0x6080;
	s22 =	sadd.s32 s1, s16;
	[sflag:s14] =	ssyncadd.s32 @!p0 $0xFFFFE000  }
0x2f: {  	[tilespmem:s17], [sflag:$0x4] =	stream.linear.gather [hbm4b:s22+s21], $0x2000, $0x38;
	[tilespmem:$0x18080] =	vst v63  }
0x30: {  	s24 =	sand.u32 $0x1C00, s21;
	s26 =	sand.u32 $0x380, s21;
	s23 =	sadd.s32 s16, s9  }
0x31: {  	[tilespmem:s31], [sflag:$0x4] =	stream.linear.gather [hbm4b:s23+s21], $0x2000, $0x38;
	[tilespmem:$0x18080] =	vst v63  }
0x32: {  	s23 =	sor.u32 s26, s24  }
0x33: {  	v2 =	vld [tilespmem:s23+$0x80C0]  }
0x34: {  	s25 =	simm.s32 $0x400;
	v5 =	vld [tilespmem:s23+$0xC0]  }
0x35: {  	s28 =	sand.u32 $0x1C00, s25;
	s22 =	simm.s32 $0x10;
	v4 =	vld [tilespmem:s23+$0x90]  }
0x36: {  	s14 =	sshll.u32 s20, $0x2;
	s30 =	sand.u32 $0x380, s22;
	s22 =	sor.u32 s28, s22;
	v3 =	vld [tilespmem:s23+$0xE0]  }
0x37: {  	s24 =	sor.u32 s24, s21;
	s26 =	simm.s32 $0x20;
	s21 =	sor.u32 s30, s28;
	v6 =	vld [tilespmem:s23+$0x8090]  }
.LBB2_3:
0x38: {  	p1 =	sne.s32 s26, $0x3F0  }
0x39: {  	s25 =	sadd.s32 $0x400, s25;
	v7 =	vld [tilespmem:s23+$0x80E0];
	s16 =	smov.u32 s26;
	s26 =	sadd.s32 $0x10, s26  }
0x3a: {  	v8 =	vld [tilespmem:s23+$0xD0]  }
0x3b: {  	v9 =	vld [tilespmem:s23+$0x8080]  }
0x3c: {  	v10 =	vld [tilespmem:s23+$0x80]  }
0x3d: {  	v5 =	vmul.f32 v5, v0;
	v6 =	vmul.f32 v6, v1;
	v11 =	vld [tilespmem:s23+$0x80D0]  }
0x3e: {  	v2 =	vmul.f32 v2, v1;
	v12 =	vld [tilespmem:s23+$0x80A0];
	v7 =	vmul.f32 v7, v1  }
0x3f: {  	v4 =	vmul.f32 v4, v0;
	v13 =	vld [tilespmem:s23+$0x80B0]  }
0x40: {  	v2 =	vadd.f32 v2, v5;
	v3 =	vmul.f32 v3, v0;
	v14 =	vld [tilespmem:s23+$0xB0]  }
0x41: {  	v4 =	vadd.f32 v6, v4;
	v9 =	vmul.f32 v9, v1;
	v5 =	vmul.f32 v10, v0;
	v6 =	vld [tilespmem:s23+$0xA0]  }
0x42: {  	v3 =	vadd.f32 v7, v3;
	[tilespmem:s23+$0x100C0] =	vst v2;
	v2 =	vmul.f32 v8, v0;
	v8 =	vmul.f32 v11, v1  }
0x43: {  	v5 =	vadd.f32 v9, v5;
	[tilespmem:s23+$0x10090] =	vst v4;
	v4 =	vmul.f32 v12, v1  }
0x44: {  	v7 =	vmul.f32 v13, v1;
	v2 =	vadd.f32 v8, v2;
	[tilespmem:s23+$0x100E0] =	vst v3  }
0x45: {  	v3 =	vmul.f32 v14, v0  }
0x46: {  	s28 =	sand.u32 $0x1C00, s25;
	s17 =	sand.u32 $0x380, s16;
	v6 =	vmul.f32 v6, v0  }
0x47: {  	s17 =	sor.u32 s17, s28;
	s16 =	sor.u32 s28, s16;
	v3 =	vadd.f32 v7, v3;
	[tilespmem:s23+$0x100D0] =	vst v2  }
0x48: {  	[tilespmem:s23+$0x10080] =	vst v5;
	v2 =	vadd.f32 v4, v6  }
0x49: {  	[tilespmem:s23+$0x100B0] =	vst v3  }
0x4a: {  	s28 =	sor.u32 $0x70, s24;
	[tilespmem:s23+$0x100A0] =	vst v2;
	s23 =	smov.u32 s21;
	s21 =	smov.u32 s17  }
0x4b: {  	s24 =	smov.u32 s22;
	s22 =	smov.u32 s16;
	v2 =	vld [tilespmem:s28+$0x80]  }
0x4c: {  	v3 =	vld [tilespmem:s28+$0x8080];
	_ =	sdelay $0x3  }
0x4d: {  	v2 =	vmul.f32 v2, v0  }
0x4e: {  	v3 =	vmul.f32 v3, v1;
	_ =	sdelay $0x1  }
0x4f: {  	v2 =	vadd.f32 v3, v2;
	_ =	sdelay $0x1  }
0x50: {  	[tilespmem:s28+$0x10080] =	vst v2  }
.Ltmp0:
0x51: {  	v2 =	vld [tilespmem:s23+$0x80C0];
	(pc) =	sbr.rel @p1 .LBB2_3-.Ltmp0, $4  }
0x52: {  	v5 =	vld [tilespmem:s23+$0xC0]  }
0x53: {  	v4 =	vld [tilespmem:s23+$0x90]  }
0x54: {  	v3 =	vld [tilespmem:s23+$0xE0]  }
0x55: {  	v6 =	vld [tilespmem:s23+$0x8090]  }
0x56: {  	v7 =	vld [tilespmem:s23+$0x80E0]  }
0x57: {  	v8 =	vld [tilespmem:s23+$0xD0]  }
0x58: {  	v9 =	vld [tilespmem:s23+$0x8080]  }
0x59: {  	v10 =	vld [tilespmem:s23+$0x80]  }
0x5a: {  	v11 =	vld [tilespmem:s23+$0x80D0]  }
0x5b: {  	v12 =	vld [tilespmem:s23+$0x80A0]  }
0x5c: {  	v13 =	vld [tilespmem:s23+$0x80B0]  }
0x5d: {  	v2 =	vmul.f32 v2, v1;
	v14 =	vld [tilespmem:s23+$0xB0];
	v5 =	vmul.f32 v5, v0  }
0x5e: {  	v15 =	vld [tilespmem:s23+$0xA0];
	v4 =	vmul.f32 v4, v0;
	v6 =	vmul.f32 v6, v1  }
0x5f: {  	v2 =	vadd.f32 v2, v5;
	v3 =	vmul.f32 v3, v0;
	v7 =	vmul.f32 v7, v1  }
0x60: {  	v5 =	vmul.f32 v8, v0;
	v4 =	vadd.f32 v6, v4;
	v6 =	vmul.f32 v11, v1  }
0x61: {  	v8 =	vmul.f32 v10, v0;
	v9 =	vmul.f32 v9, v1;
	[tilespmem:s23+$0x100C0] =	vst v2;
	v2 =	vadd.f32 v7, v3  }
0x62: {  	v3 =	vmul.f32 v13, v1;
	[tilespmem:s23+$0x10090] =	vst v4;
	v4 =	vadd.f32 v6, v5;
	v5 =	vmul.f32 v14, v0  }
0x63: {  	v7 =	vmul.f32 v12, v1;
	v6 =	vadd.f32 v9, v8;
	[tilespmem:s23+$0x100E0] =	vst v2;
	v2 =	vmul.f32 v15, v0  }
0x64: {  	v3 =	vadd.f32 v3, v5;
	[tilespmem:s23+$0x100D0] =	vst v4  }
0x65: {  	[tilespmem:s23+$0x10080] =	vst v6;
	v2 =	vadd.f32 v7, v2  }
0x66: {  	[tilespmem:s23+$0x100B0] =	vst v3  }
0x67: {  	s16 =	sor.u32 $0x70, s24;
	[tilespmem:s23+$0x100A0] =	vst v2  }
0x68: {  	v2 =	vld [tilespmem:s16+$0x80]  }
0x69: {  	v3 =	vld [tilespmem:s16+$0x8080];
	_ =	sdelay $0x4  }
0x6a: {  	v2 =	vmul.f32 v2, v0;
	v3 =	vmul.f32 v3, v1;
	_ =	sdelay $0x1  }
0x6b: {  	v2 =	vadd.f32 v3, v2;
	_ =	sdelay $0x1  }
0x6c: {  	[tilespmem:s16+$0x10080] =	vst v2  }
0x6d: {  	v2 =	vld [tilespmem:s21+$0x80C0]  }
0x6e: {  	v3 =	vld [tilespmem:s21+$0xC0]  }
0x6f: {  	v4 =	vld [tilespmem:s21+$0x90]  }
0x70: {  	v5 =	vld [tilespmem:s21+$0xE0]  }
0x71: {  	v6 =	vld [tilespmem:s21+$0x8090]  }
0x72: {  	v7 =	vld [tilespmem:s21+$0x80E0]  }
0x73: {  	v8 =	vld [tilespmem:s21+$0xD0]  }
0x74: {  	v57 =	vld [tilespmem:s21+$0x8080]  }
0x75: {  	v58 =	vld [tilespmem:s21+$0x80]  }
0x76: {  	v59 =	vld [tilespmem:s21+$0x80D0]  }
0x77: {  	v60 =	vld [tilespmem:s21+$0x80A0]  }
0x78: {  	v61 =	vld [tilespmem:s21+$0x80B0]  }
0x79: {  	v62 =	vld [tilespmem:s21+$0xB0];
	v3 =	vmul.f32 v3, v0;
	v2 =	vmul.f32 v2, v1  }
0x7a: {  	v63 =	vld [tilespmem:s21+$0xA0];
	v6 =	vmul.f32 v6, v1;
	v4 =	vmul.f32 v4, v0  }
0x7b: {  	v5 =	vmul.f32 v5, v0;
	v2 =	vadd.f32 v2, v3;
	v3 =	vmul.f32 v7, v1  }
0x7c: {  	v4 =	vadd.f32 v6, v4;
	v6 =	vmul.f32 v8, v0;
	v7 =	vmul.f32 v59, v1  }
0x7d: {  	v9 =	vmul.f32 v57, v1;
	v8 =	vmul.f32 v58, v0;
	[tilespmem:s21+$0x100C0] =	vst v2;
	v2 =	vadd.f32 v3, v5  }
0x7e: {  	[tilespmem:s21+$0x10090] =	vst v4;
	v3 =	vmul.f32 v61, v1;
	v4 =	vadd.f32 v7, v6;
	v5 =	vmul.f32 v62, v0  }
0x7f: {  	v6 =	vadd.f32 v9, v8;
	v7 =	vmul.f32 v60, v1;
	[tilespmem:s21+$0x100E0] =	vst v2;
	v2 =	vmul.f32 v63, v0  }
0x80: {  	v3 =	vadd.f32 v3, v5;
	[tilespmem:s21+$0x100D0] =	vst v4  }
0x81: {  	[tilespmem:s21+$0x10080] =	vst v6;
	v2 =	vadd.f32 v7, v2  }
0x82: {  	[tilespmem:s21+$0x100B0] =	vst v3  }
0x83: {  	s30 =	sor.u32 $0x70, s22;
	[tilespmem:s21+$0x100A0] =	vst v2  }
0x84: {  	v2 =	vld [tilespmem:s30+$0x80]  }
0x85: {  	v3 =	vld [tilespmem:s30+$0x8080];
	_ =	sdelay $0x4  }
0x86: {  	v2 =	vmul.f32 v2, v0;
	v3 =	vmul.f32 v3, v1;
	_ =	sdelay $0x1  }
0x87: {  	v2 =	vadd.f32 v3, v2  }
0x88: {  	s17 =	sshll.u32 s20, $0xC  }
0x89: {  	s17 =	sadd.s32 s17, s15;
	[tilespmem:s30+$0x10080] =	vst v2  }
0x8a: {  	[hbm4b:s17+s4] =	stream.linear.scatter [tilespmem:s0], [sflag:$0x5], $0x2000, $0x38;
	[tilespmem:$0x18080] =	vst v63  }
0x8b: {  	_ =	swait.ge [sflag:s3], $0x2000  }
0x8c: {  	[sflag:s3] =	ssyncset.done $0x0  }
0x8d: {  	[sflag:s3] =	ssyncadd.s32 $0xFFFFE000  }
0x8e: {  	_ =	swait.ge [sflag:s3], $0x2000  }
0x8f: {  	[sflag:s3] =	ssyncset.done $0x0  }
0x90: {  	s16 =	simm.s32 @!p0 $0x6;
	[sflag:s3] =	ssyncadd.s32 $0xFFFFE000  }
0x91: {  	p1 =	seq.s32 @!p0 s20, $0x3;
	_ =	swait.ge @!p0 [sflag:s16], $0x2000  }
0x92: {  	p1 =	por p0, !p1;
	[sflag:s16] =	ssyncset.done @!p0 $0x0  }
0x93: {  	s21 =	sshll.u32 s20, $0x5;
	[sflag:s16] =	ssyncadd.s32 @!p0 $0xFFFFE000;
	s16 =	rddreg @p1 [dreg:$0xc]  }
0x94: {  	s16 =	sadd.s32 @p1 s21, s16  }
0x95: {  	s16 =	sshll.u32 @p1 s16, $0x7  }
0x96: {  	s19 =	simm.s32 @p1 $0x80;
	s17 =	sadd.s32 @p1 s1, s16  }
0x97: {  	[tilespmem:s19], [sflag:$0x1] =	stream.linear.gather @p1 [hbm4b:s17+s4], $0x2000, $0x38;
	[tilespmem:$0x18080] =	vst v63  }
0x98: {  	s16 =	sadd.s32 @p1 s16, s9;
	s19 =	simm.s32 $0x0  }
0x99: {  	s17 =	simm.s32 @p1 $0x8080;
	s23 =	sand.u32 $0x1C00, s19;
	s26 =	sand.u32 $0x380, s19  }
0x9a: {  	[tilespmem:s17], [sflag:$0x1] =	stream.linear.gather @p1 [hbm4b:s16+s4], $0x2000, $0x38;
	[tilespmem:$0x18080] =	vst v63  }
0x9b: {  	s25 =	sor.u32 s26, s23  }
0x9c: {  	v2 =	vld [tilespmem:s25+$0xA0C0]  }
0x9d: {  	s30 =	sadd.s32 s21, s5;
	v5 =	vld [tilespmem:s25+$0x20C0]  }
0x9e: {  	s24 =	simm.s32 $0x10;
	s28 =	simm.s32 $0x400;
	s22 =	sadd.s32 $0x8, s30;
	v4 =	vld [tilespmem:s25+$0x2090]  }
0x9f: {  	s30 =	sand.u32 $0x380, s24;
	s26 =	sor.u32 s23, s19;
	s19 =	sand.u32 $0x1C00, s28;
	v3 =	vld [tilespmem:s25+$0x20E0]  }
0xa0: {  	s16 =	simm.s32 $0x20;
	s23 =	sor.u32 s30, s19;
	s24 =	sor.u32 s19, s24;
	v6 =	vld [tilespmem:s25+$0xA090]  }
.LBB2_5:
0xa1: {  	p2 =	sne.s32 s16, $0x3F0  }
0xa2: {  	s28 =	sadd.s32 $0x400, s28;
	v7 =	vld [tilespmem:s25+$0xA0E0];
	s17 =	smov.u32 s16;
	s16 =	sadd.s32 $0x10, s16  }
0xa3: {  	v8 =	vld [tilespmem:s25+$0x20D0]  }
0xa4: {  	v9 =	vld [tilespmem:s25+$0xA080]  }
0xa5: {  	v10 =	vld [tilespmem:s25+$0x2080]  }
0xa6: {  	v5 =	vmul.f32 v5, v0;
	v6 =	vmul.f32 v6, v1;
	v11 =	vld [tilespmem:s25+$0xA0D0]  }
0xa7: {  	v2 =	vmul.f32 v2, v1;
	v12 =	vld [tilespmem:s25+$0xA0A0];
	v7 =	vmul.f32 v7, v1  }
0xa8: {  	v4 =	vmul.f32 v4, v0;
	v13 =	vld [tilespmem:s25+$0xA0B0]  }
0xa9: {  	v2 =	vadd.f32 v2, v5;
	v3 =	vmul.f32 v3, v0;
	v14 =	vld [tilespmem:s25+$0x20B0]  }
0xaa: {  	v4 =	vadd.f32 v6, v4;
	v9 =	vmul.f32 v9, v1;
	v5 =	vmul.f32 v10, v0;
	v6 =	vld [tilespmem:s25+$0x20A0]  }
0xab: {  	v3 =	vadd.f32 v7, v3;
	[tilespmem:s25+$0x120C0] =	vst v2;
	v2 =	vmul.f32 v8, v0;
	v8 =	vmul.f32 v11, v1  }
0xac: {  	v5 =	vadd.f32 v9, v5;
	[tilespmem:s25+$0x12090] =	vst v4;
	v4 =	vmul.f32 v12, v1  }
0xad: {  	v7 =	vmul.f32 v13, v1;
	v2 =	vadd.f32 v8, v2;
	[tilespmem:s25+$0x120E0] =	vst v3  }
0xae: {  	v3 =	vmul.f32 v14, v0  }
0xaf: {  	s19 =	sand.u32 $0x1C00, s28;
	s30 =	sand.u32 $0x380, s17;
	v6 =	vmul.f32 v6, v0  }
0xb0: {  	s30 =	sor.u32 s30, s19;
	s17 =	sor.u32 s19, s17;
	v3 =	vadd.f32 v7, v3;
	[tilespmem:s25+$0x120D0] =	vst v2  }
0xb1: {  	[tilespmem:s25+$0x12080] =	vst v5;
	v2 =	vadd.f32 v4, v6  }
0xb2: {  	[tilespmem:s25+$0x120B0] =	vst v3  }
0xb3: {  	s19 =	sor.u32 $0x70, s26;
	[tilespmem:s25+$0x120A0] =	vst v2;
	s25 =	smov.u32 s23;
	s23 =	smov.u32 s30  }
0xb4: {  	s26 =	smov.u32 s24;
	s24 =	smov.u32 s17;
	v2 =	vld [tilespmem:s19+$0x2080]  }
0xb5: {  	v3 =	vld [tilespmem:s19+$0xA080];
	_ =	sdelay $0x3  }
0xb6: {  	v2 =	vmul.f32 v2, v0  }
0xb7: {  	v3 =	vmul.f32 v3, v1;
	_ =	sdelay $0x1  }
0xb8: {  	v2 =	vadd.f32 v3, v2;
	_ =	sdelay $0x1  }
0xb9: {  	[tilespmem:s19+$0x12080] =	vst v2  }
.Ltmp1:
0xba: {  	v2 =	vld [tilespmem:s25+$0xA0C0];
	(pc) =	sbr.rel @p2 .LBB2_5-.Ltmp1, $4  }
0xbb: {  	v5 =	vld [tilespmem:s25+$0x20C0]  }
0xbc: {  	v4 =	vld [tilespmem:s25+$0x2090]  }
0xbd: {  	v3 =	vld [tilespmem:s25+$0x20E0]  }
0xbe: {  	v6 =	vld [tilespmem:s25+$0xA090]  }
0xbf: {  	v7 =	vld [tilespmem:s25+$0xA0E0]  }
0xc0: {  	v8 =	vld [tilespmem:s25+$0x20D0]  }
0xc1: {  	v9 =	vld [tilespmem:s25+$0xA080]  }
0xc2: {  	v10 =	vld [tilespmem:s25+$0x2080]  }
0xc3: {  	v11 =	vld [tilespmem:s25+$0xA0D0]  }
0xc4: {  	v12 =	vld [tilespmem:s25+$0xA0A0]  }
0xc5: {  	v13 =	vld [tilespmem:s25+$0xA0B0]  }
0xc6: {  	v2 =	vmul.f32 v2, v1;
	v14 =	vld [tilespmem:s25+$0x20B0];
	v5 =	vmul.f32 v5, v0  }
0xc7: {  	v15 =	vld [tilespmem:s25+$0x20A0];
	v4 =	vmul.f32 v4, v0;
	v6 =	vmul.f32 v6, v1  }
0xc8: {  	v2 =	vadd.f32 v2, v5;
	v3 =	vmul.f32 v3, v0;
	v7 =	vmul.f32 v7, v1  }
0xc9: {  	v5 =	vmul.f32 v8, v0;
	v4 =	vadd.f32 v6, v4;
	v6 =	vmul.f32 v11, v1  }
0xca: {  	v8 =	vmul.f32 v10, v0;
	v9 =	vmul.f32 v9, v1;
	[tilespmem:s25+$0x120C0] =	vst v2;
	v2 =	vadd.f32 v7, v3  }
0xcb: {  	v3 =	vmul.f32 v13, v1;
	[tilespmem:s25+$0x12090] =	vst v4;
	v4 =	vadd.f32 v6, v5;
	v5 =	vmul.f32 v14, v0  }
0xcc: {  	v7 =	vmul.f32 v12, v1;
	v6 =	vadd.f32 v9, v8;
	[tilespmem:s25+$0x120E0] =	vst v2;
	v2 =	vmul.f32 v15, v0  }
0xcd: {  	v3 =	vadd.f32 v3, v5;
	[tilespmem:s25+$0x120D0] =	vst v4  }
0xce: {  	[tilespmem:s25+$0x12080] =	vst v6;
	v2 =	vadd.f32 v7, v2  }
0xcf: {  	[tilespmem:s25+$0x120B0] =	vst v3  }
0xd0: {  	s16 =	sor.u32 $0x70, s26;
	[tilespmem:s25+$0x120A0] =	vst v2  }
0xd1: {  	v2 =	vld [tilespmem:s16+$0x2080]  }
0xd2: {  	v3 =	vld [tilespmem:s16+$0xA080];
	_ =	sdelay $0x4  }
0xd3: {  	v2 =	vmul.f32 v2, v0;
	v3 =	vmul.f32 v3, v1;
	_ =	sdelay $0x1  }
0xd4: {  	v2 =	vadd.f32 v3, v2;
	_ =	sdelay $0x1  }
0xd5: {  	[tilespmem:s16+$0x12080] =	vst v2  }
0xd6: {  	v2 =	vld [tilespmem:s23+$0xA0C0]  }
0xd7: {  	v3 =	vld [tilespmem:s23+$0x20C0]  }
0xd8: {  	v4 =	vld [tilespmem:s23+$0x2090]  }
0xd9: {  	v5 =	vld [tilespmem:s23+$0x20E0]  }
0xda: {  	v6 =	vld [tilespmem:s23+$0xA090]  }
0xdb: {  	v7 =	vld [tilespmem:s23+$0xA0E0]  }
0xdc: {  	v8 =	vld [tilespmem:s23+$0x20D0]  }
0xdd: {  	v57 =	vld [tilespmem:s23+$0xA080]  }
0xde: {  	v58 =	vld [tilespmem:s23+$0x2080]  }
0xdf: {  	v59 =	vld [tilespmem:s23+$0xA0D0]  }
0xe0: {  	v60 =	vld [tilespmem:s23+$0xA0A0]  }
0xe1: {  	v61 =	vld [tilespmem:s23+$0xA0B0]  }
0xe2: {  	v62 =	vld [tilespmem:s23+$0x20B0];
	v3 =	vmul.f32 v3, v0;
	v2 =	vmul.f32 v2, v1  }
0xe3: {  	v63 =	vld [tilespmem:s23+$0x20A0];
	v6 =	vmul.f32 v6, v1;
	v4 =	vmul.f32 v4, v0  }
0xe4: {  	v5 =	vmul.f32 v5, v0;
	v2 =	vadd.f32 v2, v3;
	v3 =	vmul.f32 v7, v1  }
0xe5: {  	v4 =	vadd.f32 v6, v4;
	v6 =	vmul.f32 v8, v0;
	v7 =	vmul.f32 v59, v1  }
0xe6: {  	v9 =	vmul.f32 v57, v1;
	v8 =	vmul.f32 v58, v0;
	[tilespmem:s23+$0x120C0] =	vst v2;
	v2 =	vadd.f32 v3, v5  }
0xe7: {  	[tilespmem:s23+$0x12090] =	vst v4;
	v3 =	vmul.f32 v61, v1;
	v4 =	vadd.f32 v7, v6;
	v5 =	vmul.f32 v62, v0  }
0xe8: {  	v6 =	vadd.f32 v9, v8;
	v7 =	vmul.f32 v60, v1;
	[tilespmem:s23+$0x120E0] =	vst v2;
	v2 =	vmul.f32 v63, v0  }
0xe9: {  	v3 =	vadd.f32 v3, v5;
	[tilespmem:s23+$0x120D0] =	vst v4  }
0xea: {  	[tilespmem:s23+$0x12080] =	vst v6;
	v2 =	vadd.f32 v7, v2  }
0xeb: {  	[tilespmem:s23+$0x120B0] =	vst v3  }
0xec: {  	s25 =	sor.u32 $0x70, s24;
	[tilespmem:s23+$0x120A0] =	vst v2  }
0xed: {  	v2 =	vld [tilespmem:s25+$0x2080]  }
0xee: {  	v3 =	vld [tilespmem:s25+$0xA080];
	_ =	sdelay $0x4  }
0xef: {  	v2 =	vmul.f32 v2, v0;
	v3 =	vmul.f32 v3, v1;
	_ =	sdelay $0x1  }
0xf0: {  	v2 =	vadd.f32 v3, v2  }
0xf1: {  	s17 =	sshll.u32 s22, $0x7  }
0xf2: {  	s26 =	sadd.s32 s2, s17;
	[tilespmem:s25+$0x12080] =	vst v2  }
0xf3: {  	[hbm4b:s26+s4] =	stream.linear.scatter [tilespmem:s6], [sflag:$0x6], $0x2000, $0x38;
	[tilespmem:$0x18080] =	vst v63  }
0xf4: {  	_ =	swait.ge [sflag:s10], $0x2000  }
0xf5: {  	[sflag:s10] =	ssyncset.done $0x0  }
0xf6: {  	[sflag:s10] =	ssyncadd.s32 $0xFFFFE000  }
0xf7: {  	_ =	swait.ge [sflag:s10], $0x2000  }
0xf8: {  	[sflag:s10] =	ssyncset.done $0x0  }
0xf9: {  	s16 =	simm.s32 @!p0 $0x7;
	[sflag:s10] =	ssyncadd.s32 $0xFFFFE000  }
0xfa: {  	_ =	swait.ge @!p0 [sflag:s16], $0x2000  }
0xfb: {  	[sflag:s16] =	ssyncset.done @!p0 $0x0  }
0xfc: {  	[sflag:s16] =	ssyncadd.s32 @!p0 $0xFFFFE000;
	s16 =	rddreg @p1 [dreg:$0xd]  }
0xfd: {  	s16 =	sadd.s32 @p1 s21, s16  }
0xfe: {  	s19 =	simm.s32 @p1 $0x2080;
	s28 =	simm.s32 $0x0;
	s16 =	sshll.u32 @p1 s16, $0x7  }
0xff: {  	s30 =	sand.u32 $0x1C00, s28;
	s22 =	sand.u32 $0x380, s28;
	s17 =	sadd.s32 @p1 s1, s16  }
0x100: {  	[tilespmem:s19], [sflag:$0x2] =	stream.linear.gather @p1 [hbm4b:s17+s4], $0x2000, $0x38;
	[tilespmem:$0x18080] =	vst v63  }
0x101: {  	s24 =	sor.u32 s22, s30;
	s16 =	sadd.s32 @p1 s16, s9;
	s17 =	simm.s32 @p1 $0xA080  }
0x102: {  	[tilespmem:s17], [sflag:$0x2] =	stream.linear.gather @p1 [hbm4b:s16+s4], $0x2000, $0x38;
	[tilespmem:$0x18080] =	vst v63  }
0x103: {  	v2 =	vld [tilespmem:s24+$0xC0C0]  }
0x104: {  	v5 =	vld [tilespmem:s24+$0x40C0]  }
0x105: {  	s14 =	sor.u32 $0x2, s14;
	s23 =	simm.s32 $0x10;
	s26 =	simm.s32 $0x400;
	v4 =	vld [tilespmem:s24+$0x4090]  }
0x106: {  	s25 =	sor.u32 s30, s28;
	s30 =	sand.u32 $0x380, s23;
	s28 =	sand.u32 $0x1C00, s26;
	v3 =	vld [tilespmem:s24+$0x40E0]  }
0x107: {  	s22 =	sor.u32 s30, s28;
	s23 =	sor.u32 s28, s23;
	s16 =	simm.s32 $0x20;
	v6 =	vld [tilespmem:s24+$0xC090]  }
.LBB2_7:
0x108: {  	p2 =	sne.s32 s16, $0x3F0  }
0x109: {  	s26 =	sadd.s32 $0x400, s26;
	v7 =	vld [tilespmem:s24+$0xC0E0];
	s17 =	smov.u32 s16;
	s16 =	sadd.s32 $0x10, s16  }
0x10a: {  	v8 =	vld [tilespmem:s24+$0x40D0]  }
0x10b: {  	v9 =	vld [tilespmem:s24+$0xC080]  }
0x10c: {  	v10 =	vld [tilespmem:s24+$0x4080]  }
0x10d: {  	v5 =	vmul.f32 v5, v0;
	v6 =	vmul.f32 v6, v1;
	v11 =	vld [tilespmem:s24+$0xC0D0]  }
0x10e: {  	v2 =	vmul.f32 v2, v1;
	v12 =	vld [tilespmem:s24+$0xC0A0];
	v7 =	vmul.f32 v7, v1  }
0x10f: {  	v4 =	vmul.f32 v4, v0;
	v13 =	vld [tilespmem:s24+$0xC0B0]  }
0x110: {  	v2 =	vadd.f32 v2, v5;
	v3 =	vmul.f32 v3, v0;
	v14 =	vld [tilespmem:s24+$0x40B0]  }
0x111: {  	v4 =	vadd.f32 v6, v4;
	v9 =	vmul.f32 v9, v1;
	v5 =	vmul.f32 v10, v0;
	v6 =	vld [tilespmem:s24+$0x40A0]  }
0x112: {  	v3 =	vadd.f32 v7, v3;
	[tilespmem:s24+$0x140C0] =	vst v2;
	v2 =	vmul.f32 v8, v0;
	v8 =	vmul.f32 v11, v1  }
0x113: {  	v5 =	vadd.f32 v9, v5;
	[tilespmem:s24+$0x14090] =	vst v4;
	v4 =	vmul.f32 v12, v1  }
0x114: {  	v7 =	vmul.f32 v13, v1;
	v2 =	vadd.f32 v8, v2;
	[tilespmem:s24+$0x140E0] =	vst v3  }
0x115: {  	v3 =	vmul.f32 v14, v0  }
0x116: {  	s19 =	sand.u32 $0x1C00, s26;
	s28 =	sand.u32 $0x380, s17;
	v6 =	vmul.f32 v6, v0  }
0x117: {  	s28 =	sor.u32 s28, s19;
	s17 =	sor.u32 s19, s17;
	v3 =	vadd.f32 v7, v3;
	[tilespmem:s24+$0x140D0] =	vst v2  }
0x118: {  	[tilespmem:s24+$0x14080] =	vst v5;
	v2 =	vadd.f32 v4, v6  }
0x119: {  	[tilespmem:s24+$0x140B0] =	vst v3  }
0x11a: {  	s19 =	sor.u32 $0x70, s25;
	[tilespmem:s24+$0x140A0] =	vst v2;
	s24 =	smov.u32 s22;
	s22 =	smov.u32 s28  }
0x11b: {  	s25 =	smov.u32 s23;
	s23 =	smov.u32 s17;
	v2 =	vld [tilespmem:s19+$0x4080]  }
0x11c: {  	v3 =	vld [tilespmem:s19+$0xC080];
	_ =	sdelay $0x3  }
0x11d: {  	v2 =	vmul.f32 v2, v0  }
0x11e: {  	v3 =	vmul.f32 v3, v1;
	_ =	sdelay $0x1  }
0x11f: {  	v2 =	vadd.f32 v3, v2;
	_ =	sdelay $0x1  }
0x120: {  	[tilespmem:s19+$0x14080] =	vst v2  }
.Ltmp2:
0x121: {  	v2 =	vld [tilespmem:s24+$0xC0C0];
	(pc) =	sbr.rel @p2 .LBB2_7-.Ltmp2, $4  }
0x122: {  	v5 =	vld [tilespmem:s24+$0x40C0]  }
0x123: {  	v4 =	vld [tilespmem:s24+$0x4090]  }
0x124: {  	v3 =	vld [tilespmem:s24+$0x40E0]  }
0x125: {  	v6 =	vld [tilespmem:s24+$0xC090]  }
0x126: {  	v7 =	vld [tilespmem:s24+$0xC0E0]  }
0x127: {  	v8 =	vld [tilespmem:s24+$0x40D0]  }
0x128: {  	v9 =	vld [tilespmem:s24+$0xC080]  }
0x129: {  	v10 =	vld [tilespmem:s24+$0x4080]  }
0x12a: {  	v11 =	vld [tilespmem:s24+$0xC0D0]  }
0x12b: {  	v12 =	vld [tilespmem:s24+$0xC0A0]  }
0x12c: {  	v13 =	vld [tilespmem:s24+$0xC0B0]  }
0x12d: {  	v2 =	vmul.f32 v2, v1;
	v14 =	vld [tilespmem:s24+$0x40B0];
	v5 =	vmul.f32 v5, v0  }
0x12e: {  	v15 =	vld [tilespmem:s24+$0x40A0];
	v4 =	vmul.f32 v4, v0;
	v6 =	vmul.f32 v6, v1  }
0x12f: {  	v2 =	vadd.f32 v2, v5;
	v3 =	vmul.f32 v3, v0;
	v7 =	vmul.f32 v7, v1  }
0x130: {  	v5 =	vmul.f32 v8, v0;
	v4 =	vadd.f32 v6, v4;
	v6 =	vmul.f32 v11, v1  }
0x131: {  	v8 =	vmul.f32 v10, v0;
	v9 =	vmul.f32 v9, v1;
	[tilespmem:s24+$0x140C0] =	vst v2;
	v2 =	vadd.f32 v7, v3  }
0x132: {  	v3 =	vmul.f32 v13, v1;
	[tilespmem:s24+$0x14090] =	vst v4;
	v4 =	vadd.f32 v6, v5;
	v5 =	vmul.f32 v14, v0  }
0x133: {  	v7 =	vmul.f32 v12, v1;
	v6 =	vadd.f32 v9, v8;
	[tilespmem:s24+$0x140E0] =	vst v2;
	v2 =	vmul.f32 v15, v0  }
0x134: {  	v3 =	vadd.f32 v3, v5;
	[tilespmem:s24+$0x140D0] =	vst v4  }
0x135: {  	[tilespmem:s24+$0x14080] =	vst v6;
	v2 =	vadd.f32 v7, v2  }
0x136: {  	[tilespmem:s24+$0x140B0] =	vst v3  }
0x137: {  	s16 =	sor.u32 $0x70, s25;
	[tilespmem:s24+$0x140A0] =	vst v2  }
0x138: {  	v2 =	vld [tilespmem:s16+$0x4080]  }
0x139: {  	v3 =	vld [tilespmem:s16+$0xC080];
	_ =	sdelay $0x4  }
0x13a: {  	v2 =	vmul.f32 v2, v0;
	v3 =	vmul.f32 v3, v1;
	_ =	sdelay $0x1  }
0x13b: {  	v2 =	vadd.f32 v3, v2;
	_ =	sdelay $0x1  }
0x13c: {  	[tilespmem:s16+$0x14080] =	vst v2  }
0x13d: {  	v2 =	vld [tilespmem:s22+$0xC0C0]  }
0x13e: {  	v3 =	vld [tilespmem:s22+$0x40C0]  }
0x13f: {  	v4 =	vld [tilespmem:s22+$0x4090]  }
0x140: {  	v5 =	vld [tilespmem:s22+$0x40E0]  }
0x141: {  	v6 =	vld [tilespmem:s22+$0xC090]  }
0x142: {  	v7 =	vld [tilespmem:s22+$0xC0E0]  }
0x143: {  	v8 =	vld [tilespmem:s22+$0x40D0]  }
0x144: {  	v57 =	vld [tilespmem:s22+$0xC080]  }
0x145: {  	v58 =	vld [tilespmem:s22+$0x4080]  }
0x146: {  	v59 =	vld [tilespmem:s22+$0xC0D0]  }
0x147: {  	v60 =	vld [tilespmem:s22+$0xC0A0]  }
0x148: {  	v61 =	vld [tilespmem:s22+$0xC0B0]  }
0x149: {  	v62 =	vld [tilespmem:s22+$0x40B0];
	v3 =	vmul.f32 v3, v0;
	v2 =	vmul.f32 v2, v1  }
0x14a: {  	v63 =	vld [tilespmem:s22+$0x40A0];
	v6 =	vmul.f32 v6, v1;
	v4 =	vmul.f32 v4, v0  }
0x14b: {  	v5 =	vmul.f32 v5, v0;
	v2 =	vadd.f32 v2, v3;
	v3 =	vmul.f32 v7, v1  }
0x14c: {  	v4 =	vadd.f32 v6, v4;
	v6 =	vmul.f32 v8, v0;
	v7 =	vmul.f32 v59, v1  }
0x14d: {  	v9 =	vmul.f32 v57, v1;
	v8 =	vmul.f32 v58, v0;
	[tilespmem:s22+$0x140C0] =	vst v2;
	v2 =	vadd.f32 v3, v5  }
0x14e: {  	[tilespmem:s22+$0x14090] =	vst v4;
	v3 =	vmul.f32 v61, v1;
	v4 =	vadd.f32 v7, v6;
	v5 =	vmul.f32 v62, v0  }
0x14f: {  	v6 =	vadd.f32 v9, v8;
	v7 =	vmul.f32 v60, v1;
	[tilespmem:s22+$0x140E0] =	vst v2;
	v2 =	vmul.f32 v63, v0  }
0x150: {  	v3 =	vadd.f32 v3, v5;
	[tilespmem:s22+$0x140D0] =	vst v4  }
0x151: {  	[tilespmem:s22+$0x14080] =	vst v6;
	v2 =	vadd.f32 v7, v2  }
0x152: {  	[tilespmem:s22+$0x140B0] =	vst v3  }
0x153: {  	[tilespmem:s22+$0x140A0] =	vst v2;
	s22 =	sor.u32 $0x70, s23  }
0x154: {  	v2 =	vld [tilespmem:s22+$0x4080]  }
0x155: {  	v3 =	vld [tilespmem:s22+$0xC080];
	_ =	sdelay $0x4  }
0x156: {  	v2 =	vmul.f32 v2, v0;
	v3 =	vmul.f32 v3, v1  }
0x157: {  	s14 =	sadd.s32 s18, s14  }
0x158: {  	s14 =	sshll.u32 s14, $0xA;
	v2 =	vadd.f32 v3, v2  }
0x159: {  	s14 =	sand.u32 $0x1FFFF800, s14  }
0x15a: {  	s14 =	sadd.s32 s2, s14;
	[tilespmem:s22+$0x14080] =	vst v2  }
0x15b: {  	[hbm4b:s14+s4] =	stream.linear.scatter [tilespmem:s11], [sflag:$0x7], $0x2000, $0x38;
	[tilespmem:$0x18080] =	vst v63  }
0x15c: {  	_ =	swait.ge [sflag:s12], $0x2000  }
0x15d: {  	[sflag:s12] =	ssyncset.done $0x0  }
0x15e: {  	[sflag:s12] =	ssyncadd.s32 $0xFFFFE000  }
0x15f: {  	_ =	swait.ge [sflag:s12], $0x2000  }
0x160: {  	[sflag:s12] =	ssyncset.done $0x0  }
0x161: {  	s14 =	simm.s32 @!p0 $0x8;
	[sflag:s12] =	ssyncadd.s32 $0xFFFFE000  }
0x162: {  	_ =	swait.ge @!p0 [sflag:s14], $0x2000  }
0x163: {  	[sflag:s14] =	ssyncset.done @!p0 $0x0  }
0x164: {  	[sflag:s14] =	ssyncadd.s32 @!p0 $0xFFFFE000;
	s14 =	rddreg @p1 [dreg:$0xe]  }
0x165: {  	s14 =	sadd.s32 @p1 s21, s14  }
0x166: {  	s17 =	simm.s32 @p1 $0x4080;
	s23 =	simm.s32 $0x0;
	s14 =	sshll.u32 @p1 s14, $0x7  }
0x167: {  	s25 =	sand.u32 $0x1C00, s23;
	s26 =	sand.u32 $0x380, s23;
	s16 =	sadd.s32 @p1 s1, s14  }
0x168: {  	[tilespmem:s17], [sflag:$0x3] =	stream.linear.gather @p1 [hbm4b:s16+s4], $0x2000, $0x38;
	[tilespmem:$0x18080] =	vst v63  }
0x169: {  	s22 =	sor.u32 s26, s25;
	s14 =	sadd.s32 @p1 s14, s9;
	s16 =	simm.s32 @p1 $0xC080  }
0x16a: {  	[tilespmem:s16], [sflag:$0x3] =	stream.linear.gather @p1 [hbm4b:s14+s4], $0x2000, $0x38;
	[tilespmem:$0x18080] =	vst v63  }
0x16b: {  	v3 =	vld [tilespmem:s22+$0xE0C0]  }
0x16c: {  	v5 =	vld [tilespmem:s22+$0x60C0]  }
0x16d: {  	s28 =	simm.s32 $0x10;
	s24 =	simm.s32 $0x400;
	v4 =	vld [tilespmem:s22+$0x6090]  }
0x16e: {  	s30 =	sand.u32 $0x380, s28;
	s19 =	sand.u32 $0x1C00, s24;
	s23 =	sor.u32 s25, s23;
	v2 =	vld [tilespmem:s22+$0x60E0]  }
0x16f: {  	s21 =	sor.u32 s19, s28;
	s16 =	simm.s32 $0x20;
	s14 =	sor.u32 s30, s19;
	v6 =	vld [tilespmem:s22+$0xE090]  }
.LBB2_9:
0x170: {  	p0 =	sne.s32 s16, $0x3F0  }
0x171: {  	s24 =	sadd.s32 $0x400, s24;
	v7 =	vld [tilespmem:s22+$0xE0E0];
	s17 =	smov.u32 s16;
	s16 =	sadd.s32 $0x10, s16  }
0x172: {  	v8 =	vld [tilespmem:s22+$0x60D0]  }
0x173: {  	v9 =	vld [tilespmem:s22+$0xE080]  }
0x174: {  	v10 =	vld [tilespmem:s22+$0x6080]  }
0x175: {  	v5 =	vmul.f32 v5, v0;
	v6 =	vmul.f32 v6, v1;
	v11 =	vld [tilespmem:s22+$0xE0D0]  }
0x176: {  	v3 =	vmul.f32 v3, v1;
	v12 =	vld [tilespmem:s22+$0xE0A0];
	v7 =	vmul.f32 v7, v1  }
0x177: {  	v4 =	vmul.f32 v4, v0;
	v13 =	vld [tilespmem:s22+$0xE0B0]  }
0x178: {  	v3 =	vadd.f32 v3, v5;
	v2 =	vmul.f32 v2, v0;
	v14 =	vld [tilespmem:s22+$0x60B0]  }
0x179: {  	v4 =	vadd.f32 v6, v4;
	v9 =	vmul.f32 v9, v1;
	v5 =	vmul.f32 v10, v0;
	v6 =	vld [tilespmem:s22+$0x60A0]  }
0x17a: {  	v2 =	vadd.f32 v7, v2;
	[tilespmem:s22+$0x160C0] =	vst v3;
	v3 =	vmul.f32 v8, v0;
	v8 =	vmul.f32 v11, v1  }
0x17b: {  	v5 =	vadd.f32 v9, v5;
	[tilespmem:s22+$0x16090] =	vst v4;
	v4 =	vmul.f32 v12, v1  }
0x17c: {  	v7 =	vmul.f32 v13, v1;
	v3 =	vadd.f32 v8, v3;
	[tilespmem:s22+$0x160E0] =	vst v2  }
0x17d: {  	v2 =	vmul.f32 v14, v0  }
0x17e: {  	s19 =	sand.u32 $0x1C00, s24;
	s25 =	sand.u32 $0x380, s17;
	v6 =	vmul.f32 v6, v0  }
0x17f: {  	s25 =	sor.u32 s25, s19;
	s17 =	sor.u32 s19, s17;
	v2 =	vadd.f32 v7, v2;
	[tilespmem:s22+$0x160D0] =	vst v3  }
0x180: {  	[tilespmem:s22+$0x16080] =	vst v5;
	v3 =	vadd.f32 v4, v6  }
0x181: {  	[tilespmem:s22+$0x160B0] =	vst v2  }
0x182: {  	s19 =	sor.u32 $0x70, s23;
	[tilespmem:s22+$0x160A0] =	vst v3;
	s22 =	smov.u32 s14;
	s14 =	smov.u32 s25  }
0x183: {  	s23 =	smov.u32 s21;
	s21 =	smov.u32 s17;
	v2 =	vld [tilespmem:s19+$0x6080]  }
0x184: {  	v3 =	vld [tilespmem:s19+$0xE080];
	_ =	sdelay $0x3  }
0x185: {  	v2 =	vmul.f32 v2, v0  }
0x186: {  	v3 =	vmul.f32 v3, v1;
	_ =	sdelay $0x1  }
0x187: {  	v2 =	vadd.f32 v3, v2;
	_ =	sdelay $0x1  }
0x188: {  	[tilespmem:s19+$0x16080] =	vst v2  }
.Ltmp3:
0x189: {  	v3 =	vld [tilespmem:s22+$0xE0C0];
	(pc) =	sbr.rel @p0 .LBB2_9-.Ltmp3, $4  }
0x18a: {  	v5 =	vld [tilespmem:s22+$0x60C0]  }
0x18b: {  	v4 =	vld [tilespmem:s22+$0x6090]  }
0x18c: {  	v2 =	vld [tilespmem:s22+$0x60E0]  }
0x18d: {  	v6 =	vld [tilespmem:s22+$0xE090]  }
0x18e: {  	v7 =	vld [tilespmem:s22+$0xE0E0]  }
0x18f: {  	v8 =	vld [tilespmem:s22+$0x60D0]  }
0x190: {  	v9 =	vld [tilespmem:s22+$0xE080]  }
0x191: {  	v10 =	vld [tilespmem:s22+$0x6080]  }
0x192: {  	v11 =	vld [tilespmem:s22+$0xE0D0]  }
0x193: {  	v12 =	vld [tilespmem:s22+$0xE0A0]  }
0x194: {  	v13 =	vld [tilespmem:s22+$0xE0B0]  }
0x195: {  	v3 =	vmul.f32 v3, v1;
	v14 =	vld [tilespmem:s22+$0x60B0];
	v5 =	vmul.f32 v5, v0  }
0x196: {  	v15 =	vld [tilespmem:s22+$0x60A0];
	v4 =	vmul.f32 v4, v0;
	v6 =	vmul.f32 v6, v1  }
0x197: {  	v3 =	vadd.f32 v3, v5;
	v2 =	vmul.f32 v2, v0;
	v7 =	vmul.f32 v7, v1  }
0x198: {  	v40 =	vmul.f32 v8, v0;
	v41 =	vmul.f32 v11, v1;
	v4 =	vadd.f32 v6, v4  }
0x199: {  	v42 =	vmul.f32 v10, v0;
	v9 =	vmul.f32 v9, v1;
	[tilespmem:s22+$0x160C0] =	vst v3;
	v2 =	vadd.f32 v7, v2  }
0x19a: {  	v3 =	vmul.f32 v13, v1;
	v44 =	vmul.f32 v14, v0;
	v43 =	vadd.f32 v41, v40;
	[tilespmem:s22+$0x16090] =	vst v4  }
0x19b: {  	v46 =	vmul.f32 v12, v1;
	v45 =	vadd.f32 v9, v42;
	[tilespmem:s22+$0x160E0] =	vst v2;
	v2 =	vmul.f32 v15, v0  }
0x19c: {  	v3 =	vadd.f32 v3, v44;
	[tilespmem:s22+$0x160D0] =	vst v43  }
0x19d: {  	[tilespmem:s22+$0x16080] =	vst v45;
	v2 =	vadd.f32 v46, v2  }
0x19e: {  	[tilespmem:s22+$0x160B0] =	vst v3  }
0x19f: {  	s16 =	sor.u32 $0x70, s23;
	[tilespmem:s22+$0x160A0] =	vst v2  }
0x1a0: {  	v2 =	vld [tilespmem:s16+$0x6080]  }
0x1a1: {  	v3 =	vld [tilespmem:s16+$0xE080];
	_ =	sdelay $0x4  }
0x1a2: {  	v2 =	vmul.f32 v2, v0;
	v3 =	vmul.f32 v3, v1;
	_ =	sdelay $0x1  }
0x1a3: {  	v2 =	vadd.f32 v3, v2;
	_ =	sdelay $0x1  }
0x1a4: {  	[tilespmem:s16+$0x16080] =	vst v2  }
0x1a5: {  	v2 =	vld [tilespmem:s14+$0xE0C0]  }
0x1a6: {  	v3 =	vld [tilespmem:s14+$0x60C0]  }
0x1a7: {  	v4 =	vld [tilespmem:s14+$0x6090]  }
0x1a8: {  	v47 =	vld [tilespmem:s14+$0x60E0]  }
0x1a9: {  	v6 =	vld [tilespmem:s14+$0xE090]  }
0x1aa: {  	v48 =	vld [tilespmem:s14+$0xE0E0]  }
0x1ab: {  	v49 =	vld [tilespmem:s14+$0x60D0]  }
0x1ac: {  	v50 =	vld [tilespmem:s14+$0xE080]  }
0x1ad: {  	v51 =	vld [tilespmem:s14+$0x6080]  }
0x1ae: {  	v52 =	vld [tilespmem:s14+$0xE0D0]  }
0x1af: {  	v53 =	vld [tilespmem:s14+$0xE0A0]  }
0x1b0: {  	v54 =	vld [tilespmem:s14+$0xE0B0]  }
0x1b1: {  	v55 =	vld [tilespmem:s14+$0x60B0];
	v3 =	vmul.f32 v3, v0;
	v2 =	vmul.f32 v2, v1  }
0x1b2: {  	v56 =	vld [tilespmem:s14+$0x60A0];
	v6 =	vmul.f32 v6, v1;
	v4 =	vmul.f32 v4, v0  }
0x1b3: {  	v5 =	vmul.f32 v47, v0;
	v2 =	vadd.f32 v2, v3;
	v3 =	vmul.f32 v48, v1  }
0x1b4: {  	v57 =	vmul.f32 v49, v0;
	v58 =	vmul.f32 v52, v1;
	v4 =	vadd.f32 v6, v4  }
0x1b5: {  	v59 =	vmul.f32 v51, v0;
	v9 =	vmul.f32 v50, v1;
	[tilespmem:s14+$0x160C0] =	vst v2;
	v2 =	vadd.f32 v3, v5  }
0x1b6: {  	v61 =	vmul.f32 v55, v0;
	v60 =	vadd.f32 v58, v57;
	[tilespmem:s14+$0x16090] =	vst v4;
	v3 =	vmul.f32 v54, v1  }
0x1b7: {  	v63 =	vmul.f32 v53, v1;
	v62 =	vadd.f32 v9, v59;
	[tilespmem:s14+$0x160E0] =	vst v2;
	v2 =	vmul.f32 v56, v0  }
0x1b8: {  	[tilespmem:s14+$0x160D0] =	vst v60;
	v3 =	vadd.f32 v3, v61  }
0x1b9: {  	[tilespmem:s14+$0x16080] =	vst v62;
	v2 =	vadd.f32 v63, v2  }
0x1ba: {  	[tilespmem:s14+$0x160B0] =	vst v3  }
0x1bb: {  	s30 =	sor.u32 $0x70, s21;
	[tilespmem:s14+$0x160A0] =	vst v2  }
0x1bc: {  	v2 =	vld [tilespmem:s30+$0x6080]  }
0x1bd: {  	v3 =	vld [tilespmem:s30+$0xE080];
	_ =	sdelay $0x3  }
0x1be: {  	s20 =	sadd.s32 $0x1, s20  }
0x1bf: {  	p0 =	sne.s32 s20, $0x4;
	v2 =	vmul.f32 v2, v0;
	v3 =	vmul.f32 v3, v1  }
.Ltmp4:
0x1c0: {  	_ = 	snop;
	(pc) =	sbr.rel @p0 .LBB2_2-.Ltmp4, $4  }
0x1c1: {  	s8 =	sadd.s32 s18, s8;
	v2 =	vadd.f32 v3, v2  }
0x1c2: {  	s8 =	sshll.u32 s8, $0xA  }
0x1c3: {  	s8 =	sadd.s32 s2, s8;
	[tilespmem:s30+$0x16080] =	vst v2  }
0x1c4: {  	[hbm4b:s8+s4] =	stream.linear.scatter [tilespmem:s13], [sflag:$0x8], $0x2000, $0x38;
	[tilespmem:$0x18080] =	vst v63  }
0x1c5: {  	s8 =	simm.s32 $0x5  }
0x1c6: {  	_ =	swait.ge [sflag:s8], $0x2000  }
0x1c7: {  	[sflag:s8] =	ssyncset.done $0x0  }
0x1c8: {  	s26 =	simm.s32 $0x6;
	[sflag:s8] =	ssyncadd.s32 $0xFFFFE000  }
0x1c9: {  	_ =	swait.ge [sflag:s26], $0x2000  }
0x1ca: {  	[sflag:s26] =	ssyncset.done $0x0  }
0x1cb: {  	s28 =	simm.s32 $0x7;
	[sflag:s26] =	ssyncadd.s32 $0xFFFFE000  }
0x1cc: {  	_ =	swait.ge [sflag:s28], $0x2000  }
0x1cd: {  	[sflag:s28] =	ssyncset.done $0x0  }
0x1ce: {  	s14 =	simm.s32 $0x8;
	[sflag:s28] =	ssyncadd.s32 $0xFFFFE000  }
0x1cf: {  	_ =	swait.ge [sflag:s14], $0x2000  }
0x1d0: {  	s16 =	rddreg [dreg:$0x10]  }
0x1d1: {  	s30 =	rddreg [dreg:$0xf];
	s16 =	sadd.s32 $0x1, s16  }
0x1d2: {  	p0 =	sne.s32 s16, s30  }
.Ltmp5:
0x1d3: {  	_ = 	snop;
	(pc) =	sbr.rel @p0 .LBB2_1-.Ltmp5, $3  }
0x1d4: {  	_ =	sdelay $0x1  }
0x1d5: {  	[sflag:s14] =	ssyncset.done $0x0  }
0x1d6: {  	[sflag:s14] =	ssyncadd.s32 $0xFFFFE000  }
0x1d7: {  	_ =	sfence.sel $0x180000  }
0x1d8: {  	[bflag:$0x0] =	sbarrier.arrive $0xFFFF  }
0x1d9: {  	_ =	strace $0x90000047  }
0x1da: {  	s0 =	stileid.u32;
	[bflag:$0x2] =	sbarrier.arrive $0xFFFF  }
0x1db: {  	p0 =	sne.s32 s0, $0x0;
	s0 =	rddreg [dreg:$0x4]  }
0x1dc: {  	s0 =	sadd.s32 @!p0 $0x100000, s0  }
0x1dd: {  	[sflag:s0] =	ssyncadd.tile.s32 @!p0 $0x1;
	_ =	shalt  }
.Lfunc_end2:
_tile_overlayer_lowered:
.L_overlay_start_2:
0x1de: {  	(tag) =	ssettag $0x2  }
0x1df: {  	s0 =	rddreg [dreg:$0x0];
	s2 =	stileid.u32  }
0x1e0: {  	s1 =	rddreg [dreg:$0x1];
	p0 =	sne.s32 s2, $0x0  }
0x1e1: {  	s3 =	rddreg [dreg:$0x2];
	[bflag:$0x3] =	sbarrier.arrive $0xFFFF;
	s2 =	simm.s32 @!p0 $0x1C09  }
0x1e2: {  	[timem:s3], [sflag:s2] =	dma.local @!p0 [hbm:s0], s1  }
0x1e3: {  	s0 =	simm.s32 @!p0 $0x9  }
0x1e4: {  	_ =	swait.ge @!p0 [sflag:s0], s1  }
0x1e5: {  	s1 =	ssub.s32 @!p0 $0x0, s1;
	[sflag:s0] =	ssyncset.done @!p0 $0x0  }
0x1e6: {  	[sflag:s0] =	ssyncadd.s32 @!p0 s1  }
0x1e7: {  	[bflag:$0x3] =	sbarrier.arrive $0xFFFF  }
0x1e8: {  	_ =	shalt  }

</sc_bundles>
